<compile_context>
chip_gen: v7x
topology: tpu7x:2x2x1
jax: 0.10.2.dev20260603
libtpu: 0.0.44.dev20260713+nightly
codegen_flags: <defaults>
</compile_context>

<pallas_src>
import functools

import jax
import jax.numpy as jnp
from jax import lax
from jax.experimental import pallas as pl
from jax.experimental.pallas import tpu as pltpu
from jax.experimental.pallas import tpu_sc as plsc

N = 10000
E = 320000
H = 128
G = 64

NCORES = 2
NSUB = 16
NW = NCORES * NSUB
EPT = E // NW
CHUNK = 125
NCH = EPT // CHUNK
NPAD = 10240
NPT = NPAD // NSUB


def _sc_agg(x, edges4, zeros_tile):
    mesh = plsc.VectorSubcoreMesh(core_axis_name="c", subcore_axis_name="s")

    @functools.partial(
        pl.kernel,
        out_type=jax.ShapeDtypeStruct((NCORES, NPAD, H), jnp.float32),
        mesh=mesh,
        scratch_types=[
            pltpu.VMEM((NCH, CHUNK), jnp.int32),
            pltpu.VMEM((NCH, CHUNK), jnp.int32),
            pltpu.VMEM((CHUNK, H), jnp.float32),
            pltpu.VMEM_SHARED((NPAD, H), jnp.float32),
            pltpu.SemaphoreType.DMA,
        ],
    )
    def k(x_hbm, edges_hbm, zero_hbm, out_hbm, src_v, dst_v, rows_v, agg, sem0):
        c = lax.axis_index("c")
        s = lax.axis_index("s")
        wid = s * NCORES + c

        pltpu.sync_copy(edges_hbm.at[0, wid], src_v)
        pltpu.sync_copy(edges_hbm.at[1, wid], dst_v)
        @pl.when(c == 0)
        def _():
            pltpu.sync_copy(x_hbm.at[pl.ds(s * NPT, NPT)],
                            agg.at[pl.ds(s * NPT, NPT)])

        @pl.when(c == 1)
        def _():
            pltpu.sync_copy(zero_hbm, agg.at[pl.ds(s * NPT, NPT)])
        plsc.subcore_barrier()


        def body(j, carry):
            pltpu.async_copy(x_hbm.at[src_v.at[j]], rows_v, sem0).wait()
            pltpu.sync_copy(rows_v, agg.at[dst_v.at[j]], add=True)
            return carry

        lax.fori_loop(0, NCH, body, 0, unroll=False)

        plsc.subcore_barrier()
        pltpu.sync_copy(agg.at[pl.ds(s * NPT, NPT)],
                        out_hbm.at[c, pl.ds(s * NPT, NPT)])

    return k(x, edges4, zeros_tile)


def _gin_bn(p_ref, wa_ref, ba_ref, wb_ref, bb_ref, g_ref, be_ref):
    h = p_ref[0, :N, :] + p_ref[1, :N, :]
    t = jnp.maximum(
        jnp.dot(h, wa_ref[...], preferred_element_type=jnp.float32) + ba_ref[...],
        0.0)
    u = jnp.dot(t, wb_ref[...], preferred_element_type=jnp.float32) + bb_ref[...]
    mu = jnp.mean(u, axis=0, keepdims=True)
    d = u - mu
    var = jnp.mean(d * d, axis=0, keepdims=True)
    return jnp.maximum(d * lax.rsqrt(var + 1e-5) * g_ref[...] + be_ref[...], 0.0)


def _tc_layer_body(p_ref, wa_ref, ba_ref, wb_ref, bb_ref,
                   g_ref, be_ref, o_ref):
    o_ref[:N, :] = _gin_bn(p_ref, wa_ref, ba_ref, wb_ref, bb_ref,
                           g_ref, be_ref)
    o_ref[N:, :] = jnp.zeros((NPAD - N, H), jnp.float32)


def _tc_layer(parts, Wa, ba, Wb, bb, g, be):
    return pl.pallas_call(
        _tc_layer_body,
        out_shape=jax.ShapeDtypeStruct((NPAD, H), jnp.float32),
    )(parts, Wa, ba.reshape(1, H), Wb, bb.reshape(1, H),
      g.reshape(1, H), be.reshape(1, H))


def _tc_last_body(p_ref, wa_ref, ba_ref, wb_ref, bb_ref, g_ref, be_ref,
                  b_ref, wf1_ref, bf1_ref, wf2_ref, bf2_ref, o_ref):
    h = _gin_bn(p_ref, wa_ref, ba_ref, wb_ref, bb_ref, g_ref, be_ref)
    b = b_ref[...]
    gids = lax.broadcasted_iota(jnp.int32, (G, N), 0)
    onehot = (gids == b).astype(jnp.float32)
    sums = jnp.dot(onehot, h, preferred_element_type=jnp.float32)
    cnt = jnp.sum(onehot, axis=1, keepdims=True)
    pooled = sums / jnp.maximum(cnt, 1.0)
    t = jnp.maximum(
        jnp.dot(pooled, wf1_ref[...], preferred_element_type=jnp.float32)
        + bf1_ref[...], 0.0)
    o = jnp.dot(t, wf2_ref[...], preferred_element_type=jnp.float32) + bf2_ref[...]
    o_ref[...] = jnp.maximum(o, 0.0)


def _tc_last(parts, Wa, ba, Wb, bb, g, be, batch2d, Wf1, bf1, Wf2, bf2):
    return pl.pallas_call(
        _tc_last_body,
        out_shape=jax.ShapeDtypeStruct((G, 1), jnp.float32),
    )(parts, Wa, ba.reshape(1, H), Wb, bb.reshape(1, H),
      g.reshape(1, H), be.reshape(1, H), batch2d,
      Wf1, bf1.reshape(1, H), Wf2, bf2.reshape(1, 1))


def kernel(x, edge_index, edge_attr, batch,
           W1a, b1a, W1b, b1b, W2a, b2a, W2b, b2b, W3a, b3a, W3b, b3b,
           g1, be1, g2, be2, g3, be3, Wf1, bf1, Wf2, bf2):
    edges4 = edge_index.reshape(2, NW, NCH, CHUNK)
    zeros_tile = jnp.zeros((NPT, H), jnp.float32)
    batch2d = batch.reshape(1, N)

    hp = jnp.pad(x, ((0, NPAD - N), (0, 0)))
    for (Wa, ba, Wb, bb, g, be) in (
            (W1a, b1a, W1b, b1b, g1, be1),
            (W2a, b2a, W2b, b2b, g2, be2)):
        parts = _sc_agg(hp, edges4, zeros_tile)
        hp = _tc_layer(parts, Wa, ba, Wb, bb, g, be)

    parts = _sc_agg(hp, edges4, zeros_tile)
    return _tc_last(parts, W3a, b3a, W3b, b3b, g3, be3,
                    batch2d, Wf1, bf1, Wf2, bf2)

# --- scband reference (transcript-rebuilt; emitter-appended) ---
"""Pipeline reference for scband-energy-gnn-gin-22883585753797 (READ-ONLY COPY).

The authoritative reference and input builder live on the scoring server;
editing this copy changes nothing except your own understanding.
"""

import jax, jax.numpy as jnp
import numpy as np

N = 10000
E = 320000
D_IN = 128
H = 128
D_OUT = 1
G = 64


def _linear_init(key, fan_in, fan_out):
    return jax.random.uniform(key, (fan_in, fan_out), minval=-1.0, maxval=1.0, dtype=jnp.float32) / np.sqrt(fan_in)


def setup_inputs(seed: int = 0) -> dict:
    key = jax.random.key(seed)
    ks = jax.random.split(key, 16)
    inp = {}
    inp["x"] = jax.random.normal(ks[0], (N, D_IN), dtype=jnp.float32)
    inp["edge_index"] = jax.random.randint(ks[1], (2, E), 0, N, dtype=jnp.int32)
    inp["edge_attr"] = jax.random.normal(ks[2], (E, 4), dtype=jnp.float32)
    inp["batch"] = jnp.sort(jax.random.randint(ks[3], (N,), 0, G, dtype=jnp.int32))
    names = ["W1a", "W1b", "W2a", "W2b", "W3a", "W3b"]
    dims = [(D_IN, H), (H, H), (H, H), (H, H), (H, H), (H, H)]
    for i, (n, (fi, fo)) in enumerate(zip(names, dims)):
        inp[n] = _linear_init(ks[4 + i], fi, fo)
        inp["b" + n[1:]] = jnp.zeros((fo,), dtype=jnp.float32)
    for n in ["g1", "g2", "g3"]:
        inp[n] = jnp.ones((H,), dtype=jnp.float32)
        inp["be" + n[1:]] = jnp.zeros((H,), dtype=jnp.float32)
    inp["Wf1"] = _linear_init(ks[10], H, H)
    inp["bf1"] = jnp.zeros((H,), dtype=jnp.float32)
    inp["Wf2"] = _linear_init(ks[11], H, D_OUT)
    inp["bf2"] = jnp.zeros((D_OUT,), dtype=jnp.float32)
    return inp


def _gin_conv(x, edge_index, Wa, ba, Wb, bb):
    # GINConv with eps=0: out = MLP(x + sum_{j -> i} x_j)
    src = edge_index[0]
    dst = edge_index[1]
    agg = jnp.zeros_like(x).at[dst].add(x[src])
    h = x + agg
    h = jnp.maximum(h @ Wa + ba, 0.0) @ Wb + bb
    return h


def _batch_norm(h, gamma, beta, eps=1e-5):
    mu = jnp.mean(h, axis=0, keepdims=True)
    var = jnp.var(h, axis=0, keepdims=True)
    return (h - mu) / jnp.sqrt(var + eps) * gamma + beta


def reference(x, edge_index, edge_attr, batch, W1a, b1a, W1b, b1b, W2a, b2a, W2b, b2b, W3a, b3a, W3b, b3b, g1, be1, g2, be2, g3, be3, Wf1, bf1, Wf2, bf2):
    # edge_attr is accepted but unused, matching the torch module
    h = jnp.maximum(_batch_norm(_gin_conv(x, edge_index, W1a, b1a, W1b, b1b), g1, be1), 0.0)
    h = jnp.maximum(_batch_norm(_gin_conv(h, edge_index, W2a, b2a, W2b, b2b), g2, be2), 0.0)
    h = jnp.maximum(_batch_norm(_gin_conv(h, edge_index, W3a, b3a, W3b, b3b), g3, be3), 0.0)
    # global mean pool over graphs
    sums = jax.ops.segment_sum(h, batch, num_segments=G)
    cnt = jax.ops.segment_sum(jnp.ones((h.shape[0],), dtype=h.dtype), batch, num_segments=G)
    pooled = sums / jnp.clip(cnt, 1.0, None)[:, None]
    h = jnp.maximum(pooled @ Wf1 + bf1, 0.0)
    h = h @ Wf2 + bf2
    return jnp.maximum(h, 0.0)

if __name__ == "__main__":
    import jax
    _d = setup_inputs()
    print(jax.jit(kernel)(*tuple(_d.values())))

</pallas_src>

<mosaic_0001>
#map = affine_map<(d0, d1) -> (0, 0)>
#map1 = affine_map<(d0, d1) -> (0, 0, 0, 0)>
#map2 = affine_map<(d0, d1) -> (0, 0, 0)>
module attributes {stable_mosaic.version = 14 : i64} {
  func.func @k(%arg0: i32, %arg1: i32, %arg2: memref<10240x128xf32, #tpu.memory_space<hbm>>, %arg3: memref<2x32x80x125xi32, #tpu.memory_space<hbm>>, %arg4: memref<640x128xf32, #tpu.memory_space<hbm>>, %arg5: memref<2x10240x128xf32, #tpu.memory_space<hbm>>, %arg6: memref<80x125xi32, #tpu.memory_space<vmem>>, %arg7: memref<80x125xi32, #tpu.memory_space<vmem>>, %arg8: memref<125x128xf32, #tpu.memory_space<vmem>>, %arg9: memref<10240x128xf32, #tpu.memory_space<vmem_shared>>, %arg10: memref<!tpu.dma_semaphore, #tpu.memory_space<semaphore_mem>>) attributes {dimension_semantics = [#tpu.dimension_semantics<core_parallel>, #tpu.dimension_semantics<subcore_parallel>], iteration_bounds = array<i64: 2, 16>, scalar_prefetch = 0 : i64, scratch_operands = 5 : i64, tpu.core_type = #tpu.core_type<sc_vector_subcore>, window_params = [{transform_indices = #map}, {transform_indices = #map1}, {transform_indices = #map}, {transform_indices = #map2}]} {
    %mul3A = arith.constant 2 : i32
    %mul3A_0 = arith.muli %arg1, %mul3A : i32
    %add3A = arith.addi %mul3A_0, %arg0 : i32
    %run_scoped3A = arith.constant 0 : i32
    "tpu.region"() ({
      %run_scoped3A_19 = tpu.sem_alloc : memref<!tpu.dma_semaphore, #tpu.memory_space<semaphore_mem>>
      %dma_start3A = arith.constant 0 : i32
      %dma_start3A_20 = arith.constant 0 : i32
      %dma_start3A_21 = tpu.memref_slice %arg3[%run_scoped3A, %add3A, %dma_start3A, %dma_start3A_20] : memref<2x32x80x125xi32, #tpu.memory_space<hbm>> -> memref<1x1x80x125xi32, #tpu.memory_space<hbm>>
      %dma_start3A_22 = tpu.memref_squeeze %dma_start3A_21 : memref<1x1x80x125xi32, #tpu.memory_space<hbm>> -> memref<80x125xi32, #tpu.memory_space<hbm>>
      %dma_start3A_23 = arith.constant 0 : i32
      %dma_start3A_24 = arith.constant 0 : i32
      %dma_start3A_25 = tpu.memref_slice %arg3[%run_scoped3A, %add3A, %dma_start3A_23, %dma_start3A_24] : memref<2x32x80x125xi32, #tpu.memory_space<hbm>> -> memref<1x1x80x125xi32, #tpu.memory_space<hbm>>
      %dma_start3A_26 = tpu.memref_squeeze %dma_start3A_25 : memref<1x1x80x125xi32, #tpu.memory_space<hbm>> -> memref<80x125xi32, #tpu.memory_space<hbm>>
      tpu.enqueue_dma source(%dma_start3A_26 : memref<80x125xi32, #tpu.memory_space<hbm>>) target(%arg6 : memref<80x125xi32, #tpu.memory_space<vmem>>) target_semaphore(%run_scoped3A_19 : memref<!tpu.dma_semaphore, #tpu.memory_space<semaphore_mem>>)
      %dma_wait3A = arith.constant 0 : i32
      %dma_wait3A_27 = arith.constant 0 : i32
      %dma_wait3A_28 = tpu.memref_slice %arg3[%run_scoped3A, %add3A, %dma_wait3A, %dma_wait3A_27] : memref<2x32x80x125xi32, #tpu.memory_space<hbm>> -> memref<1x1x80x125xi32, #tpu.memory_space<hbm>>
      %dma_wait3A_29 = tpu.memref_squeeze %dma_wait3A_28 : memref<1x1x80x125xi32, #tpu.memory_space<hbm>> -> memref<80x125xi32, #tpu.memory_space<hbm>>
      %dma_wait3A_30 = arith.constant 0 : i32
      %dma_wait3A_31 = arith.constant 0 : i32
      %dma_wait3A_32 = tpu.memref_slice %arg3[%run_scoped3A, %add3A, %dma_wait3A_30, %dma_wait3A_31] : memref<2x32x80x125xi32, #tpu.memory_space<hbm>> -> memref<1x1x80x125xi32, #tpu.memory_space<hbm>>
      %dma_wait3A_33 = tpu.memref_squeeze %dma_wait3A_32 : memref<1x1x80x125xi32, #tpu.memory_space<hbm>> -> memref<80x125xi32, #tpu.memory_space<hbm>>
      tpu.wait_dma2 semaphore(%run_scoped3A_19 : memref<!tpu.dma_semaphore, #tpu.memory_space<semaphore_mem>>) src(%dma_wait3A_33 : memref<80x125xi32, #tpu.memory_space<hbm>>) dst(%arg6 : memref<80x125xi32, #tpu.memory_space<vmem>>)
      tpu.yield
    }) : () -> ()
    %run_scoped3A_1 = arith.constant 1 : i32
    "tpu.region"() ({
      %run_scoped3A_19 = tpu.sem_alloc : memref<!tpu.dma_semaphore, #tpu.memory_space<semaphore_mem>>
      %dma_start3A = arith.constant 0 : i32
      %dma_start3A_20 = arith.constant 0 : i32
      %dma_start3A_21 = tpu.memref_slice %arg3[%run_scoped3A_1, %add3A, %dma_start3A, %dma_start3A_20] : memref<2x32x80x125xi32, #tpu.memory_space<hbm>> -> memref<1x1x80x125xi32, #tpu.memory_space<hbm>>
      %dma_start3A_22 = tpu.memref_squeeze %dma_start3A_21 : memref<1x1x80x125xi32, #tpu.memory_space<hbm>> -> memref<80x125xi32, #tpu.memory_space<hbm>>
      %dma_start3A_23 = arith.constant 0 : i32
      %dma_start3A_24 = arith.constant 0 : i32
      %dma_start3A_25 = tpu.memref_slice %arg3[%run_scoped3A_1, %add3A, %dma_start3A_23, %dma_start3A_24] : memref<2x32x80x125xi32, #tpu.memory_space<hbm>> -> memref<1x1x80x125xi32, #tpu.memory_space<hbm>>
      %dma_start3A_26 = tpu.memref_squeeze %dma_start3A_25 : memref<1x1x80x125xi32, #tpu.memory_space<hbm>> -> memref<80x125xi32, #tpu.memory_space<hbm>>
      tpu.enqueue_dma source(%dma_start3A_26 : memref<80x125xi32, #tpu.memory_space<hbm>>) target(%arg7 : memref<80x125xi32, #tpu.memory_space<vmem>>) target_semaphore(%run_scoped3A_19 : memref<!tpu.dma_semaphore, #tpu.memory_space<semaphore_mem>>)
      %dma_wait3A = arith.constant 0 : i32
      %dma_wait3A_27 = arith.constant 0 : i32
      %dma_wait3A_28 = tpu.memref_slice %arg3[%run_scoped3A_1, %add3A, %dma_wait3A, %dma_wait3A_27] : memref<2x32x80x125xi32, #tpu.memory_space<hbm>> -> memref<1x1x80x125xi32, #tpu.memory_space<hbm>>
      %dma_wait3A_29 = tpu.memref_squeeze %dma_wait3A_28 : memref<1x1x80x125xi32, #tpu.memory_space<hbm>> -> memref<80x125xi32, #tpu.memory_space<hbm>>
      %dma_wait3A_30 = arith.constant 0 : i32
      %dma_wait3A_31 = arith.constant 0 : i32
      %dma_wait3A_32 = tpu.memref_slice %arg3[%run_scoped3A_1, %add3A, %dma_wait3A_30, %dma_wait3A_31] : memref<2x32x80x125xi32, #tpu.memory_space<hbm>> -> memref<1x1x80x125xi32, #tpu.memory_space<hbm>>
      %dma_wait3A_33 = tpu.memref_squeeze %dma_wait3A_32 : memref<1x1x80x125xi32, #tpu.memory_space<hbm>> -> memref<80x125xi32, #tpu.memory_space<hbm>>
      tpu.wait_dma2 semaphore(%run_scoped3A_19 : memref<!tpu.dma_semaphore, #tpu.memory_space<semaphore_mem>>) src(%dma_wait3A_33 : memref<80x125xi32, #tpu.memory_space<hbm>>) dst(%arg7 : memref<80x125xi32, #tpu.memory_space<vmem>>)
      tpu.yield
    }) : () -> ()
    %eq3A = arith.constant 0 : i32
    %eq3A_2 = arith.cmpi eq, %arg0, %eq3A : i32
    %convert_element_type3A = arith.extui %eq3A_2 : i1 to i32
    %cond3A = arith.constant 0 : i32
    %cond3A_3 = arith.cmpi ne, %convert_element_type3A, %cond3A : i32
    scf.if %cond3A_3 {
      %mul3A_19 = arith.constant 640 : i32
      %mul3A_20 = arith.muli %arg1, %mul3A_19 : i32
      %mul3A_21 = arith.constant 640 : i32
      %mul3A_22 = arith.muli %arg1, %mul3A_21 : i32
      "tpu.region"() ({
        %run_scoped3A_23 = tpu.sem_alloc : memref<!tpu.dma_semaphore, #tpu.memory_space<semaphore_mem>>
        %dma_start3A = arith.constant 0 : i32
        %dma_start3A_24 = tpu.memref_slice %arg9[%mul3A_22, %dma_start3A] : memref<10240x128xf32, #tpu.memory_space<vmem_shared>> -> memref<640x128xf32, #tpu.memory_space<vmem_shared>>
        %dma_start3A_25 = arith.constant 0 : i32
        %dma_start3A_26 = tpu.memref_slice %arg2[%mul3A_20, %dma_start3A_25] : memref<10240x128xf32, #tpu.memory_space<hbm>> -> memref<640x128xf32, #tpu.memory_space<hbm>>
        tpu.enqueue_dma source(%dma_start3A_26 : memref<640x128xf32, #tpu.memory_space<hbm>>) target(%dma_start3A_24 : memref<640x128xf32, #tpu.memory_space<vmem_shared>>) target_semaphore(%run_scoped3A_23 : memref<!tpu.dma_semaphore, #tpu.memory_space<semaphore_mem>>)
        %dma_wait3A = arith.constant 0 : i32
        %dma_wait3A_27 = tpu.memref_slice %arg9[%mul3A_22, %dma_wait3A] : memref<10240x128xf32, #tpu.memory_space<vmem_shared>> -> memref<640x128xf32, #tpu.memory_space<vmem_shared>>
        %dma_wait3A_28 = arith.constant 0 : i32
        %dma_wait3A_29 = tpu.memref_slice %arg2[%mul3A_20, %dma_wait3A_28] : memref<10240x128xf32, #tpu.memory_space<hbm>> -> memref<640x128xf32, #tpu.memory_space<hbm>>
        tpu.wait_dma2 semaphore(%run_scoped3A_23 : memref<!tpu.dma_semaphore, #tpu.memory_space<semaphore_mem>>) src(%dma_wait3A_29 : memref<640x128xf32, #tpu.memory_space<hbm>>) dst(%dma_wait3A_27 : memref<640x128xf32, #tpu.memory_space<vmem_shared>>)
        tpu.yield
      }) : () -> ()
    } else {
    }
    %eq3A_4 = arith.constant 1 : i32
    %eq3A_5 = arith.cmpi eq, %arg0, %eq3A_4 : i32
    %convert_element_type3A_6 = arith.extui %eq3A_5 : i1 to i32
    %cond3A_7 = arith.constant 0 : i32
    %cond3A_8 = arith.cmpi ne, %convert_element_type3A_6, %cond3A_7 : i32
    scf.if %cond3A_8 {
      %mul3A_19 = arith.constant 640 : i32
      %mul3A_20 = arith.muli %arg1, %mul3A_19 : i32
      "tpu.region"() ({
        %run_scoped3A_21 = tpu.sem_alloc : memref<!tpu.dma_semaphore, #tpu.memory_space<semaphore_mem>>
        %dma_start3A = arith.constant 0 : i32
        %dma_start3A_22 = tpu.memref_slice %arg9[%mul3A_20, %dma_start3A] : memref<10240x128xf32, #tpu.memory_space<vmem_shared>> -> memref<640x128xf32, #tpu.memory_space<vmem_shared>>
        tpu.enqueue_dma source(%arg4 : memref<640x128xf32, #tpu.memory_space<hbm>>) target(%dma_start3A_22 : memref<640x128xf32, #tpu.memory_space<vmem_shared>>) target_semaphore(%run_scoped3A_21 : memref<!tpu.dma_semaphore, #tpu.memory_space<semaphore_mem>>)
        %dma_wait3A = arith.constant 0 : i32
        %dma_wait3A_23 = tpu.memref_slice %arg9[%mul3A_20, %dma_wait3A] : memref<10240x128xf32, #tpu.memory_space<vmem_shared>> -> memref<640x128xf32, #tpu.memory_space<vmem_shared>>
        tpu.wait_dma2 semaphore(%run_scoped3A_21 : memref<!tpu.dma_semaphore, #tpu.memory_space<semaphore_mem>>) src(%arg4 : memref<640x128xf32, #tpu.memory_space<hbm>>) dst(%dma_wait3A_23 : memref<640x128xf32, #tpu.memory_space<vmem_shared>>)
        tpu.yield
      }) : () -> ()
    } else {
    }
    %barrier3A = arith.constant 0 : index
    tpu.barrier barrier_id(%barrier3A)
    %scan3A = arith.constant 0 : i32
    %scan3A_9 = arith.constant 0 : i32
    %scan3A_10 = arith.constant 80 : i32
    %scan3A_11 = arith.addi %scan3A_9, %scan3A_10 : i32
    %scan3A_12 = arith.constant 1 : i32
    scf.for %scan3A_19 = %scan3A_9 to %scan3A_11 step %scan3A_12  : i32 {
      %dma_start3A = arith.constant 0 : i32
      %dma_start3A_20 = tpu.memref_slice %arg6[%scan3A_19, %dma_start3A] : memref<80x125xi32, #tpu.memory_space<vmem>> -> memref<1x125xi32, #tpu.memory_space<vmem>>
      %dma_start3A_21 = tpu.memref_squeeze %dma_start3A_20 : memref<1x125xi32, #tpu.memory_space<vmem>> -> memref<125xi32, #tpu.memory_space<vmem>>
      %dma_start3A_22 = arith.constant 0 : i32
      %dma_start3A_23 = arith.constant 0 : i32
      %dma_start3A_24 = tpu.memref_slice %arg2[%dma_start3A_22, %dma_start3A_23] : memref<10240x128xf32, #tpu.memory_space<hbm>> -> memref<10240x128xf32, #tpu.memory_space<hbm>>
      tpu.enqueue_indirect_dma source(%dma_start3A_24 : memref<10240x128xf32, #tpu.memory_space<hbm>>) target(%arg8 : memref<125x128xf32, #tpu.memory_space<vmem>>) offsets(%dma_start3A_21 : memref<125xi32, #tpu.memory_space<vmem>>) semaphore(%arg10 : memref<!tpu.dma_semaphore, #tpu.memory_space<semaphore_mem>>)
      %dma_wait3A = arith.constant 0 : i32
      %dma_wait3A_25 = tpu.memref_slice %arg6[%scan3A_19, %dma_wait3A] : memref<80x125xi32, #tpu.memory_space<vmem>> -> memref<1x125xi32, #tpu.memory_space<vmem>>
      %dma_wait3A_26 = tpu.memref_squeeze %dma_wait3A_25 : memref<1x125xi32, #tpu.memory_space<vmem>> -> memref<125xi32, #tpu.memory_space<vmem>>
      %dma_wait3A_27 = arith.constant 0 : i32
      %dma_wait3A_28 = arith.constant 0 : i32
      %dma_wait3A_29 = tpu.memref_slice %arg2[%dma_wait3A_27, %dma_wait3A_28] : memref<10240x128xf32, #tpu.memory_space<hbm>> -> memref<10240x128xf32, #tpu.memory_space<hbm>>
      tpu.wait_indirect_dma semaphore(%arg10 : memref<!tpu.dma_semaphore, #tpu.memory_space<semaphore_mem>>) src(%dma_wait3A_29 : memref<10240x128xf32, #tpu.memory_space<hbm>>) dst(%arg8 : memref<125x128xf32, #tpu.memory_space<vmem>>)
      "tpu.region"() ({
        %run_scoped3A_30 = tpu.sem_alloc : memref<!tpu.dma_semaphore, #tpu.memory_space<semaphore_mem>>
        %dma_start3A_31 = arith.constant 0 : i32
        %dma_start3A_32 = tpu.memref_slice %arg7[%scan3A_19, %dma_start3A_31] : memref<80x125xi32, #tpu.memory_space<vmem>> -> memref<1x125xi32, #tpu.memory_space<vmem>>
        %dma_start3A_33 = tpu.memref_squeeze %dma_start3A_32 : memref<1x125xi32, #tpu.memory_space<vmem>> -> memref<125xi32, #tpu.memory_space<vmem>>
        %dma_start3A_34 = arith.constant 0 : i32
        %dma_start3A_35 = arith.constant 0 : i32
        %dma_start3A_36 = tpu.memref_slice %arg9[%dma_start3A_34, %dma_start3A_35] : memref<10240x128xf32, #tpu.memory_space<vmem_shared>> -> memref<10240x128xf32, #tpu.memory_space<vmem_shared>>
        tpu.enqueue_indirect_dma source(%arg8 : memref<125x128xf32, #tpu.memory_space<vmem>>) target(%dma_start3A_36 : memref<10240x128xf32, #tpu.memory_space<vmem_shared>>) offsets(%dma_start3A_33 : memref<125xi32, #tpu.memory_space<vmem>>) semaphore(%run_scoped3A_30 : memref<!tpu.dma_semaphore, #tpu.memory_space<semaphore_mem>>) {add = true}
        %dma_wait3A_37 = arith.constant 0 : i32
        %dma_wait3A_38 = tpu.memref_slice %arg7[%scan3A_19, %dma_wait3A_37] : memref<80x125xi32, #tpu.memory_space<vmem>> -> memref<1x125xi32, #tpu.memory_space<vmem>>
        %dma_wait3A_39 = tpu.memref_squeeze %dma_wait3A_38 : memref<1x125xi32, #tpu.memory_space<vmem>> -> memref<125xi32, #tpu.memory_space<vmem>>
        %dma_wait3A_40 = arith.constant 0 : i32
        %dma_wait3A_41 = arith.constant 0 : i32
        %dma_wait3A_42 = tpu.memref_slice %arg9[%dma_wait3A_40, %dma_wait3A_41] : memref<10240x128xf32, #tpu.memory_space<vmem_shared>> -> memref<10240x128xf32, #tpu.memory_space<vmem_shared>>
        tpu.wait_indirect_dma semaphore(%run_scoped3A_30 : memref<!tpu.dma_semaphore, #tpu.memory_space<semaphore_mem>>) src(%arg8 : memref<125x128xf32, #tpu.memory_space<vmem>>) dst(%dma_wait3A_42 : memref<10240x128xf32, #tpu.memory_space<vmem_shared>>)
        tpu.yield
      }) : () -> ()
    }
    %scan3A_13 = arith.constant 80 : i32
    %barrier3A_14 = arith.constant 0 : index
    tpu.barrier barrier_id(%barrier3A_14)
    %mul3A_15 = arith.constant 640 : i32
    %mul3A_16 = arith.muli %arg1, %mul3A_15 : i32
    %mul3A_17 = arith.constant 640 : i32
    %mul3A_18 = arith.muli %arg1, %mul3A_17 : i32
    "tpu.region"() ({
      %run_scoped3A_19 = tpu.sem_alloc : memref<!tpu.dma_semaphore, #tpu.memory_space<semaphore_mem>>
      %dma_start3A = arith.constant 0 : i32
      %dma_start3A_20 = tpu.memref_slice %arg5[%arg0, %mul3A_18, %dma_start3A] : memref<2x10240x128xf32, #tpu.memory_space<hbm>> -> memref<1x640x128xf32, #tpu.memory_space<hbm>>
      %dma_start3A_21 = tpu.memref_squeeze %dma_start3A_20 : memref<1x640x128xf32, #tpu.memory_space<hbm>> -> memref<640x128xf32, #tpu.memory_space<hbm>>
      %dma_start3A_22 = arith.constant 0 : i32
      %dma_start3A_23 = tpu.memref_slice %arg9[%mul3A_16, %dma_start3A_22] : memref<10240x128xf32, #tpu.memory_space<vmem_shared>> -> memref<640x128xf32, #tpu.memory_space<vmem_shared>>
      tpu.enqueue_dma source(%dma_start3A_23 : memref<640x128xf32, #tpu.memory_space<vmem_shared>>) target(%dma_start3A_21 : memref<640x128xf32, #tpu.memory_space<hbm>>) target_semaphore(%run_scoped3A_19 : memref<!tpu.dma_semaphore, #tpu.memory_space<semaphore_mem>>)
      %dma_wait3A = arith.constant 0 : i32
      %dma_wait3A_24 = tpu.memref_slice %arg5[%arg0, %mul3A_18, %dma_wait3A] : memref<2x10240x128xf32, #tpu.memory_space<hbm>> -> memref<1x640x128xf32, #tpu.memory_space<hbm>>
      %dma_wait3A_25 = tpu.memref_squeeze %dma_wait3A_24 : memref<1x640x128xf32, #tpu.memory_space<hbm>> -> memref<640x128xf32, #tpu.memory_space<hbm>>
      %dma_wait3A_26 = arith.constant 0 : i32
      %dma_wait3A_27 = tpu.memref_slice %arg9[%mul3A_16, %dma_wait3A_26] : memref<10240x128xf32, #tpu.memory_space<vmem_shared>> -> memref<640x128xf32, #tpu.memory_space<vmem_shared>>
      tpu.wait_dma2 semaphore(%run_scoped3A_19 : memref<!tpu.dma_semaphore, #tpu.memory_space<semaphore_mem>>) src(%dma_wait3A_27 : memref<640x128xf32, #tpu.memory_space<vmem_shared>>) dst(%dma_wait3A_25 : memref<640x128xf32, #tpu.memory_space<hbm>>)
      tpu.yield
    }) : () -> ()
    return
  }
}

#map = affine_map<(d0, d1) -> (0, 0)>
#map1 = affine_map<(d0, d1) -> (0, 0, 0, 0)>
#map2 = affine_map<(d0, d1) -> (0, 0, 0)>
module attributes {stable_mosaic.version = 14 : i64} {
  func.func @k(%arg0: i32, %arg1: i32, %arg2: memref<10240x128xf32, #tpu.memory_space<hbm>>, %arg3: memref<2x32x80x125xi32, #tpu.memory_space<hbm>>, %arg4: memref<640x128xf32, #tpu.memory_space<hbm>>, %arg5: memref<2x10240x128xf32, #tpu.memory_space<hbm>>, %arg6: memref<80x125xi32, #tpu.memory_space<vmem>>, %arg7: memref<80x125xi32, #tpu.memory_space<vmem>>, %arg8: memref<125x128xf32, #tpu.memory_space<vmem>>, %arg9: memref<10240x128xf32, #tpu.memory_space<vmem_shared>>, %arg10: memref<!tpu.dma_semaphore, #tpu.memory_space<semaphore_mem>>) attributes {dimension_semantics = [#tpu.dimension_semantics<core_parallel>, #tpu.dimension_semantics<subcore_parallel>], iteration_bounds = array<i64: 2, 16>, scalar_prefetch = 0 : i64, scratch_operands = 5 : i64, tpu.core_type = #tpu.core_type<sc_vector_subcore>, window_params = [{transform_indices = #map}, {transform_indices = #map1}, {transform_indices = #map}, {transform_indices = #map2}]} {
    %mul3A = arith.constant 2 : i32
    %mul3A_0 = arith.muli %arg1, %mul3A : i32
    %add3A = arith.addi %mul3A_0, %arg0 : i32
    %run_scoped3A = arith.constant 0 : i32
    "tpu.region"() ({
      %run_scoped3A_19 = tpu.sem_alloc : memref<!tpu.dma_semaphore, #tpu.memory_space<semaphore_mem>>
      %dma_start3A = arith.constant 0 : i32
      %dma_start3A_20 = arith.constant 0 : i32
      %dma_start3A_21 = tpu.memref_slice %arg3[%run_scoped3A, %add3A, %dma_start3A, %dma_start3A_20] : memref<2x32x80x125xi32, #tpu.memory_space<hbm>> -> memref<1x1x80x125xi32, #tpu.memory_space<hbm>>
      %dma_start3A_22 = tpu.memref_squeeze %dma_start3A_21 : memref<1x1x80x125xi32, #tpu.memory_space<hbm>> -> memref<80x125xi32, #tpu.memory_space<hbm>>
      %dma_start3A_23 = arith.constant 0 : i32
      %dma_start3A_24 = arith.constant 0 : i32
      %dma_start3A_25 = tpu.memref_slice %arg3[%run_scoped3A, %add3A, %dma_start3A_23, %dma_start3A_24] : memref<2x32x80x125xi32, #tpu.memory_space<hbm>> -> memref<1x1x80x125xi32, #tpu.memory_space<hbm>>
      %dma_start3A_26 = tpu.memref_squeeze %dma_start3A_25 : memref<1x1x80x125xi32, #tpu.memory_space<hbm>> -> memref<80x125xi32, #tpu.memory_space<hbm>>
      tpu.enqueue_dma source(%dma_start3A_26 : memref<80x125xi32, #tpu.memory_space<hbm>>) target(%arg6 : memref<80x125xi32, #tpu.memory_space<vmem>>) target_semaphore(%run_scoped3A_19 : memref<!tpu.dma_semaphore, #tpu.memory_space<semaphore_mem>>)
      %dma_wait3A = arith.constant 0 : i32
      %dma_wait3A_27 = arith.constant 0 : i32
      %dma_wait3A_28 = tpu.memref_slice %arg3[%run_scoped3A, %add3A, %dma_wait3A, %dma_wait3A_27] : memref<2x32x80x125xi32, #tpu.memory_space<hbm>> -> memref<1x1x80x125xi32, #tpu.memory_space<hbm>>
      %dma_wait3A_29 = tpu.memref_squeeze %dma_wait3A_28 : memref<1x1x80x125xi32, #tpu.memory_space<hbm>> -> memref<80x125xi32, #tpu.memory_space<hbm>>
      %dma_wait3A_30 = arith.constant 0 : i32
      %dma_wait3A_31 = arith.constant 0 : i32
      %dma_wait3A_32 = tpu.memref_slice %arg3[%run_scoped3A, %add3A, %dma_wait3A_30, %dma_wait3A_31] : memref<2x32x80x125xi32, #tpu.memory_space<hbm>> -> memref<1x1x80x125xi32, #tpu.memory_space<hbm>>
      %dma_wait3A_33 = tpu.memref_squeeze %dma_wait3A_32 : memref<1x1x80x125xi32, #tpu.memory_space<hbm>> -> memref<80x125xi32, #tpu.memory_space<hbm>>
      tpu.wait_dma2 semaphore(%run_scoped3A_19 : memref<!tpu.dma_semaphore, #tpu.memory_space<semaphore_mem>>) src(%dma_wait3A_33 : memref<80x125xi32, #tpu.memory_space<hbm>>) dst(%arg6 : memref<80x125xi32, #tpu.memory_space<vmem>>)
      tpu.yield
    }) : () -> ()
    %run_scoped3A_1 = arith.constant 1 : i32
    "tpu.region"() ({
      %run_scoped3A_19 = tpu.sem_alloc : memref<!tpu.dma_semaphore, #tpu.memory_space<semaphore_mem>>
      %dma_start3A = arith.constant 0 : i32
      %dma_start3A_20 = arith.constant 0 : i32
      %dma_start3A_21 = tpu.memref_slice %arg3[%run_scoped3A_1, %add3A, %dma_start3A, %dma_start3A_20] : memref<2x32x80x125xi32, #tpu.memory_space<hbm>> -> memref<1x1x80x125xi32, #tpu.memory_space<hbm>>
      %dma_start3A_22 = tpu.memref_squeeze %dma_start3A_21 : memref<1x1x80x125xi32, #tpu.memory_space<hbm>> -> memref<80x125xi32, #tpu.memory_space<hbm>>
      %dma_start3A_23 = arith.constant 0 : i32
      %dma_start3A_24 = arith.constant 0 : i32
      %dma_start3A_25 = tpu.memref_slice %arg3[%run_scoped3A_1, %add3A, %dma_start3A_23, %dma_start3A_24] : memref<2x32x80x125xi32, #tpu.memory_space<hbm>> -> memref<1x1x80x125xi32, #tpu.memory_space<hbm>>
      %dma_start3A_26 = tpu.memref_squeeze %dma_start3A_25 : memref<1x1x80x125xi32, #tpu.memory_space<hbm>> -> memref<80x125xi32, #tpu.memory_space<hbm>>
      tpu.enqueue_dma source(%dma_start3A_26 : memref<80x125xi32, #tpu.memory_space<hbm>>) target(%arg7 : memref<80x125xi32, #tpu.memory_space<vmem>>) target_semaphore(%run_scoped3A_19 : memref<!tpu.dma_semaphore, #tpu.memory_space<semaphore_mem>>)
      %dma_wait3A = arith.constant 0 : i32
      %dma_wait3A_27 = arith.constant 0 : i32
      %dma_wait3A_28 = tpu.memref_slice %arg3[%run_scoped3A_1, %add3A, %dma_wait3A, %dma_wait3A_27] : memref<2x32x80x125xi32, #tpu.memory_space<hbm>> -> memref<1x1x80x125xi32, #tpu.memory_space<hbm>>
      %dma_wait3A_29 = tpu.memref_squeeze %dma_wait3A_28 : memref<1x1x80x125xi32, #tpu.memory_space<hbm>> -> memref<80x125xi32, #tpu.memory_space<hbm>>
      %dma_wait3A_30 = arith.constant 0 : i32
      %dma_wait3A_31 = arith.constant 0 : i32
      %dma_wait3A_32 = tpu.memref_slice %arg3[%run_scoped3A_1, %add3A, %dma_wait3A_30, %dma_wait3A_31] : memref<2x32x80x125xi32, #tpu.memory_space<hbm>> -> memref<1x1x80x125xi32, #tpu.memory_space<hbm>>
      %dma_wait3A_33 = tpu.memref_squeeze %dma_wait3A_32 : memref<1x1x80x125xi32, #tpu.memory_space<hbm>> -> memref<80x125xi32, #tpu.memory_space<hbm>>
      tpu.wait_dma2 semaphore(%run_scoped3A_19 : memref<!tpu.dma_semaphore, #tpu.memory_space<semaphore_mem>>) src(%dma_wait3A_33 : memref<80x125xi32, #tpu.memory_space<hbm>>) dst(%arg7 : memref<80x125xi32, #tpu.memory_space<vmem>>)
      tpu.yield
    }) : () -> ()
    %eq3A = arith.constant 0 : i32
    %eq3A_2 = arith.cmpi eq, %arg0, %eq3A : i32
    %convert_element_type3A = arith.extui %eq3A_2 : i1 to i32
    %cond3A = arith.constant 0 : i32
    %cond3A_3 = arith.cmpi ne, %convert_element_type3A, %cond3A : i32
    scf.if %cond3A_3 {
      %mul3A_19 = arith.constant 640 : i32
      %mul3A_20 = arith.muli %arg1, %mul3A_19 : i32
      %mul3A_21 = arith.constant 640 : i32
      %mul3A_22 = arith.muli %arg1, %mul3A_21 : i32
      "tpu.region"() ({
        %run_scoped3A_23 = tpu.sem_alloc : memref<!tpu.dma_semaphore, #tpu.memory_space<semaphore_mem>>
        %dma_start3A = arith.constant 0 : i32
        %dma_start3A_24 = tpu.memref_slice %arg9[%mul3A_22, %dma_start3A] : memref<10240x128xf32, #tpu.memory_space<vmem_shared>> -> memref<640x128xf32, #tpu.memory_space<vmem_shared>>
        %dma_start3A_25 = arith.constant 0 : i32
        %dma_start3A_26 = tpu.memref_slice %arg2[%mul3A_20, %dma_start3A_25] : memref<10240x128xf32, #tpu.memory_space<hbm>> -> memref<640x128xf32, #tpu.memory_space<hbm>>
        tpu.enqueue_dma source(%dma_start3A_26 : memref<640x128xf32, #tpu.memory_space<hbm>>) target(%dma_start3A_24 : memref<640x128xf32, #tpu.memory_space<vmem_shared>>) target_semaphore(%run_scoped3A_23 : memref<!tpu.dma_semaphore, #tpu.memory_space<semaphore_mem>>)
        %dma_wait3A = arith.constant 0 : i32
        %dma_wait3A_27 = tpu.memref_slice %arg9[%mul3A_22, %dma_wait3A] : memref<10240x128xf32, #tpu.memory_space<vmem_shared>> -> memref<640x128xf32, #tpu.memory_space<vmem_shared>>
        %dma_wait3A_28 = arith.constant 0 : i32
        %dma_wait3A_29 = tpu.memref_slice %arg2[%mul3A_20, %dma_wait3A_28] : memref<10240x128xf32, #tpu.memory_space<hbm>> -> memref<640x128xf32, #tpu.memory_space<hbm>>
        tpu.wait_dma2 semaphore(%run_scoped3A_23 : memref<!tpu.dma_semaphore, #tpu.memory_space<semaphore_mem>>) src(%dma_wait3A_29 : memref<640x128xf32, #tpu.memory_space<hbm>>) dst(%dma_wait3A_27 : memref<640x128xf32, #tpu.memory_space<vmem_shared>>)
        tpu.yield
      }) : () -> ()
    } else {
    }
    %eq3A_4 = arith.constant 1 : i32
    %eq3A_5 = arith.cmpi eq, %arg0, %eq3A_4 : i32
    %convert_element_type3A_6 = arith.extui %eq3A_5 : i1 to i32
    %cond3A_7 = arith.constant 0 : i32
    %cond3A_8 = arith.cmpi ne, %convert_element_type3A_6, %cond3A_7 : i32
    scf.if %cond3A_8 {
      %mul3A_19 = arith.constant 640 : i32
      %mul3A_20 = arith.muli %arg1, %mul3A_19 : i32
      "tpu.region"() ({
        %run_scoped3A_21 = tpu.sem_alloc : memref<!tpu.dma_semaphore, #tpu.memory_space<semaphore_mem>>
        %dma_start3A = arith.constant 0 : i32
        %dma_start3A_22 = tpu.memref_slice %arg9[%mul3A_20, %dma_start3A] : memref<10240x128xf32, #tpu.memory_space<vmem_shared>> -> memref<640x128xf32, #tpu.memory_space<vmem_shared>>
        tpu.enqueue_dma source(%arg4 : memref<640x128xf32, #tpu.memory_space<hbm>>) target(%dma_start3A_22 : memref<640x128xf32, #tpu.memory_space<vmem_shared>>) target_semaphore(%run_scoped3A_21 : memref<!tpu.dma_semaphore, #tpu.memory_space<semaphore_mem>>)
        %dma_wait3A = arith.constant 0 : i32
        %dma_wait3A_23 = tpu.memref_slice %arg9[%mul3A_20, %dma_wait3A] : memref<10240x128xf32, #tpu.memory_space<vmem_shared>> -> memref<640x128xf32, #tpu.memory_space<vmem_shared>>
        tpu.wait_dma2 semaphore(%run_scoped3A_21 : memref<!tpu.dma_semaphore, #tpu.memory_space<semaphore_mem>>) src(%arg4 : memref<640x128xf32, #tpu.memory_space<hbm>>) dst(%dma_wait3A_23 : memref<640x128xf32, #tpu.memory_space<vmem_shared>>)
        tpu.yield
      }) : () -> ()
    } else {
    }
    %barrier3A = arith.constant 0 : index
    tpu.barrier barrier_id(%barrier3A)
    %scan3A = arith.constant 0 : i32
    %scan3A_9 = arith.constant 0 : i32
    %scan3A_10 = arith.constant 80 : i32
    %scan3A_11 = arith.addi %scan3A_9, %scan3A_10 : i32
    %scan3A_12 = arith.constant 1 : i32
    scf.for %scan3A_19 = %scan3A_9 to %scan3A_11 step %scan3A_12  : i32 {
      %dma_start3A = arith.constant 0 : i32
      %dma_start3A_20 = tpu.memref_slice %arg6[%scan3A_19, %dma_start3A] : memref<80x125xi32, #tpu.memory_space<vmem>> -> memref<1x125xi32, #tpu.memory_space<vmem>>
      %dma_start3A_21 = tpu.memref_squeeze %dma_start3A_20 : memref<1x125xi32, #tpu.memory_space<vmem>> -> memref<125xi32, #tpu.memory_space<vmem>>
      %dma_start3A_22 = arith.constant 0 : i32
      %dma_start3A_23 = arith.constant 0 : i32
      %dma_start3A_24 = tpu.memref_slice %arg2[%dma_start3A_22, %dma_start3A_23] : memref<10240x128xf32, #tpu.memory_space<hbm>> -> memref<10240x128xf32, #tpu.memory_space<hbm>>
      tpu.enqueue_indirect_dma source(%dma_start3A_24 : memref<10240x128xf32, #tpu.memory_space<hbm>>) target(%arg8 : memref<125x128xf32, #tpu.memory_space<vmem>>) offsets(%dma_start3A_21 : memref<125xi32, #tpu.memory_space<vmem>>) semaphore(%arg10 : memref<!tpu.dma_semaphore, #tpu.memory_space<semaphore_mem>>)
      %dma_wait3A = arith.constant 0 : i32
      %dma_wait3A_25 = tpu.memref_slice %arg6[%scan3A_19, %dma_wait3A] : memref<80x125xi32, #tpu.memory_space<vmem>> -> memref<1x125xi32, #tpu.memory_space<vmem>>
      %dma_wait3A_26 = tpu.memref_squeeze %dma_wait3A_25 : memref<1x125xi32, #tpu.memory_space<vmem>> -> memref<125xi32, #tpu.memory_space<vmem>>
      %dma_wait3A_27 = arith.constant 0 : i32
      %dma_wait3A_28 = arith.constant 0 : i32
      %dma_wait3A_29 = tpu.memref_slice %arg2[%dma_wait3A_27, %dma_wait3A_28] : memref<10240x128xf32, #tpu.memory_space<hbm>> -> memref<10240x128xf32, #tpu.memory_space<hbm>>
      tpu.wait_indirect_dma semaphore(%arg10 : memref<!tpu.dma_semaphore, #tpu.memory_space<semaphore_mem>>) src(%dma_wait3A_29 : memref<10240x128xf32, #tpu.memory_space<hbm>>) dst(%arg8 : memref<125x128xf32, #tpu.memory_space<vmem>>)
      "tpu.region"() ({
        %run_scoped3A_30 = tpu.sem_alloc : memref<!tpu.dma_semaphore, #tpu.memory_space<semaphore_mem>>
        %dma_start3A_31 = arith.constant 0 : i32
        %dma_start3A_32 = tpu.memref_slice %arg7[%scan3A_19, %dma_start3A_31] : memref<80x125xi32, #tpu.memory_space<vmem>> -> memref<1x125xi32, #tpu.memory_space<vmem>>
        %dma_start3A_33 = tpu.memref_squeeze %dma_start3A_32 : memref<1x125xi32, #tpu.memory_space<vmem>> -> memref<125xi32, #tpu.memory_space<vmem>>
        %dma_start3A_34 = arith.constant 0 : i32
        %dma_start3A_35 = arith.constant 0 : i32
        %dma_start3A_36 = tpu.memref_slice %arg9[%dma_start3A_34, %dma_start3A_35] : memref<10240x128xf32, #tpu.memory_space<vmem_shared>> -> memref<10240x128xf32, #tpu.memory_space<vmem_shared>>
        tpu.enqueue_indirect_dma source(%arg8 : memref<125x128xf32, #tpu.memory_space<vmem>>) target(%dma_start3A_36 : memref<10240x128xf32, #tpu.memory_space<vmem_shared>>) offsets(%dma_start3A_33 : memref<125xi32, #tpu.memory_space<vmem>>) semaphore(%run_scoped3A_30 : memref<!tpu.dma_semaphore, #tpu.memory_space<semaphore_mem>>) {add = true}
        %dma_wait3A_37 = arith.constant 0 : i32
        %dma_wait3A_38 = tpu.memref_slice %arg7[%scan3A_19, %dma_wait3A_37] : memref<80x125xi32, #tpu.memory_space<vmem>> -> memref<1x125xi32, #tpu.memory_space<vmem>>
        %dma_wait3A_39 = tpu.memref_squeeze %dma_wait3A_38 : memref<1x125xi32, #tpu.memory_space<vmem>> -> memref<125xi32, #tpu.memory_space<vmem>>
        %dma_wait3A_40 = arith.constant 0 : i32
        %dma_wait3A_41 = arith.constant 0 : i32
        %dma_wait3A_42 = tpu.memref_slice %arg9[%dma_wait3A_40, %dma_wait3A_41] : memref<10240x128xf32, #tpu.memory_space<vmem_shared>> -> memref<10240x128xf32, #tpu.memory_space<vmem_shared>>
        tpu.wait_indirect_dma semaphore(%run_scoped3A_30 : memref<!tpu.dma_semaphore, #tpu.memory_space<semaphore_mem>>) src(%arg8 : memref<125x128xf32, #tpu.memory_space<vmem>>) dst(%dma_wait3A_42 : memref<10240x128xf32, #tpu.memory_space<vmem_shared>>)
        tpu.yield
      }) : () -> ()
    }
    %scan3A_13 = arith.constant 80 : i32
    %barrier3A_14 = arith.constant 0 : index
    tpu.barrier barrier_id(%barrier3A_14)
    %mul3A_15 = arith.constant 640 : i32
    %mul3A_16 = arith.muli %arg1, %mul3A_15 : i32
    %mul3A_17 = arith.constant 640 : i32
    %mul3A_18 = arith.muli %arg1, %mul3A_17 : i32
    "tpu.region"() ({
      %run_scoped3A_19 = tpu.sem_alloc : memref<!tpu.dma_semaphore, #tpu.memory_space<semaphore_mem>>
      %dma_start3A = arith.constant 0 : i32
      %dma_start3A_20 = tpu.memref_slice %arg5[%arg0, %mul3A_18, %dma_start3A] : memref<2x10240x128xf32, #tpu.memory_space<hbm>> -> memref<1x640x128xf32, #tpu.memory_space<hbm>>
      %dma_start3A_21 = tpu.memref_squeeze %dma_start3A_20 : memref<1x640x128xf32, #tpu.memory_space<hbm>> -> memref<640x128xf32, #tpu.memory_space<hbm>>
      %dma_start3A_22 = arith.constant 0 : i32
      %dma_start3A_23 = tpu.memref_slice %arg9[%mul3A_16, %dma_start3A_22] : memref<10240x128xf32, #tpu.memory_space<vmem_shared>> -> memref<640x128xf32, #tpu.memory_space<vmem_shared>>
      tpu.enqueue_dma source(%dma_start3A_23 : memref<640x128xf32, #tpu.memory_space<vmem_shared>>) target(%dma_start3A_21 : memref<640x128xf32, #tpu.memory_space<hbm>>) target_semaphore(%run_scoped3A_19 : memref<!tpu.dma_semaphore, #tpu.memory_space<semaphore_mem>>)
      %dma_wait3A = arith.constant 0 : i32
      %dma_wait3A_24 = tpu.memref_slice %arg5[%arg0, %mul3A_18, %dma_wait3A] : memref<2x10240x128xf32, #tpu.memory_space<hbm>> -> memref<1x640x128xf32, #tpu.memory_space<hbm>>
      %dma_wait3A_25 = tpu.memref_squeeze %dma_wait3A_24 : memref<1x640x128xf32, #tpu.memory_space<hbm>> -> memref<640x128xf32, #tpu.memory_space<hbm>>
      %dma_wait3A_26 = arith.constant 0 : i32
      %dma_wait3A_27 = tpu.memref_slice %arg9[%mul3A_16, %dma_wait3A_26] : memref<10240x128xf32, #tpu.memory_space<vmem_shared>> -> memref<640x128xf32, #tpu.memory_space<vmem_shared>>
      tpu.wait_dma2 semaphore(%run_scoped3A_19 : memref<!tpu.dma_semaphore, #tpu.memory_space<semaphore_mem>>) src(%dma_wait3A_27 : memref<640x128xf32, #tpu.memory_space<vmem_shared>>) dst(%dma_wait3A_25 : memref<640x128xf32, #tpu.memory_space<hbm>>)
      tpu.yield
    }) : () -> ()
    return
  }
}

#map = affine_map<(d0, d1) -> (0, 0)>
#map1 = affine_map<(d0, d1) -> (0, 0, 0, 0)>
#map2 = affine_map<(d0, d1) -> (0, 0, 0)>
module attributes {stable_mosaic.version = 14 : i64} {
  func.func @k(%arg0: i32, %arg1: i32, %arg2: memref<10240x128xf32, #tpu.memory_space<hbm>>, %arg3: memref<2x32x80x125xi32, #tpu.memory_space<hbm>>, %arg4: memref<640x128xf32, #tpu.memory_space<hbm>>, %arg5: memref<2x10240x128xf32, #tpu.memory_space<hbm>>, %arg6: memref<80x125xi32, #tpu.memory_space<vmem>>, %arg7: memref<80x125xi32, #tpu.memory_space<vmem>>, %arg8: memref<125x128xf32, #tpu.memory_space<vmem>>, %arg9: memref<10240x128xf32, #tpu.memory_space<vmem_shared>>, %arg10: memref<!tpu.dma_semaphore, #tpu.memory_space<semaphore_mem>>) attributes {dimension_semantics = [#tpu.dimension_semantics<core_parallel>, #tpu.dimension_semantics<subcore_parallel>], iteration_bounds = array<i64: 2, 16>, scalar_prefetch = 0 : i64, scratch_operands = 5 : i64, tpu.core_type = #tpu.core_type<sc_vector_subcore>, window_params = [{transform_indices = #map}, {transform_indices = #map1}, {transform_indices = #map}, {transform_indices = #map2}]} {
    %mul3A = arith.constant 2 : i32
    %mul3A_0 = arith.muli %arg1, %mul3A : i32
    %add3A = arith.addi %mul3A_0, %arg0 : i32
    %run_scoped3A = arith.constant 0 : i32
    "tpu.region"() ({
      %run_scoped3A_19 = tpu.sem_alloc : memref<!tpu.dma_semaphore, #tpu.memory_space<semaphore_mem>>
      %dma_start3A = arith.constant 0 : i32
      %dma_start3A_20 = arith.constant 0 : i32
      %dma_start3A_21 = tpu.memref_slice %arg3[%run_scoped3A, %add3A, %dma_start3A, %dma_start3A_20] : memref<2x32x80x125xi32, #tpu.memory_space<hbm>> -> memref<1x1x80x125xi32, #tpu.memory_space<hbm>>
      %dma_start3A_22 = tpu.memref_squeeze %dma_start3A_21 : memref<1x1x80x125xi32, #tpu.memory_space<hbm>> -> memref<80x125xi32, #tpu.memory_space<hbm>>
      %dma_start3A_23 = arith.constant 0 : i32
      %dma_start3A_24 = arith.constant 0 : i32
      %dma_start3A_25 = tpu.memref_slice %arg3[%run_scoped3A, %add3A, %dma_start3A_23, %dma_start3A_24] : memref<2x32x80x125xi32, #tpu.memory_space<hbm>> -> memref<1x1x80x125xi32, #tpu.memory_space<hbm>>
      %dma_start3A_26 = tpu.memref_squeeze %dma_start3A_25 : memref<1x1x80x125xi32, #tpu.memory_space<hbm>> -> memref<80x125xi32, #tpu.memory_space<hbm>>
      tpu.enqueue_dma source(%dma_start3A_26 : memref<80x125xi32, #tpu.memory_space<hbm>>) target(%arg6 : memref<80x125xi32, #tpu.memory_space<vmem>>) target_semaphore(%run_scoped3A_19 : memref<!tpu.dma_semaphore, #tpu.memory_space<semaphore_mem>>)
      %dma_wait3A = arith.constant 0 : i32
      %dma_wait3A_27 = arith.constant 0 : i32
      %dma_wait3A_28 = tpu.memref_slice %arg3[%run_scoped3A, %add3A, %dma_wait3A, %dma_wait3A_27] : memref<2x32x80x125xi32, #tpu.memory_space<hbm>> -> memref<1x1x80x125xi32, #tpu.memory_space<hbm>>
      %dma_wait3A_29 = tpu.memref_squeeze %dma_wait3A_28 : memref<1x1x80x125xi32, #tpu.memory_space<hbm>> -> memref<80x125xi32, #tpu.memory_space<hbm>>
      %dma_wait3A_30 = arith.constant 0 : i32
      %dma_wait3A_31 = arith.constant 0 : i32
      %dma_wait3A_32 = tpu.memref_slice %arg3[%run_scoped3A, %add3A, %dma_wait3A_30, %dma_wait3A_31] : memref<2x32x80x125xi32, #tpu.memory_space<hbm>> -> memref<1x1x80x125xi32, #tpu.memory_space<hbm>>
      %dma_wait3A_33 = tpu.memref_squeeze %dma_wait3A_32 : memref<1x1x80x125xi32, #tpu.memory_space<hbm>> -> memref<80x125xi32, #tpu.memory_space<hbm>>
      tpu.wait_dma2 semaphore(%run_scoped3A_19 : memref<!tpu.dma_semaphore, #tpu.memory_space<semaphore_mem>>) src(%dma_wait3A_33 : memref<80x125xi32, #tpu.memory_space<hbm>>) dst(%arg6 : memref<80x125xi32, #tpu.memory_space<vmem>>)
      tpu.yield
    }) : () -> ()
    %run_scoped3A_1 = arith.constant 1 : i32
    "tpu.region"() ({
      %run_scoped3A_19 = tpu.sem_alloc : memref<!tpu.dma_semaphore, #tpu.memory_space<semaphore_mem>>
      %dma_start3A = arith.constant 0 : i32
      %dma_start3A_20 = arith.constant 0 : i32
      %dma_start3A_21 = tpu.memref_slice %arg3[%run_scoped3A_1, %add3A, %dma_start3A, %dma_start3A_20] : memref<2x32x80x125xi32, #tpu.memory_space<hbm>> -> memref<1x1x80x125xi32, #tpu.memory_space<hbm>>
      %dma_start3A_22 = tpu.memref_squeeze %dma_start3A_21 : memref<1x1x80x125xi32, #tpu.memory_space<hbm>> -> memref<80x125xi32, #tpu.memory_space<hbm>>
      %dma_start3A_23 = arith.constant 0 : i32
      %dma_start3A_24 = arith.constant 0 : i32
      %dma_start3A_25 = tpu.memref_slice %arg3[%run_scoped3A_1, %add3A, %dma_start3A_23, %dma_start3A_24] : memref<2x32x80x125xi32, #tpu.memory_space<hbm>> -> memref<1x1x80x125xi32, #tpu.memory_space<hbm>>
      %dma_start3A_26 = tpu.memref_squeeze %dma_start3A_25 : memref<1x1x80x125xi32, #tpu.memory_space<hbm>> -> memref<80x125xi32, #tpu.memory_space<hbm>>
      tpu.enqueue_dma source(%dma_start3A_26 : memref<80x125xi32, #tpu.memory_space<hbm>>) target(%arg7 : memref<80x125xi32, #tpu.memory_space<vmem>>) target_semaphore(%run_scoped3A_19 : memref<!tpu.dma_semaphore, #tpu.memory_space<semaphore_mem>>)
      %dma_wait3A = arith.constant 0 : i32
      %dma_wait3A_27 = arith.constant 0 : i32
      %dma_wait3A_28 = tpu.memref_slice %arg3[%run_scoped3A_1, %add3A, %dma_wait3A, %dma_wait3A_27] : memref<2x32x80x125xi32, #tpu.memory_space<hbm>> -> memref<1x1x80x125xi32, #tpu.memory_space<hbm>>
      %dma_wait3A_29 = tpu.memref_squeeze %dma_wait3A_28 : memref<1x1x80x125xi32, #tpu.memory_space<hbm>> -> memref<80x125xi32, #tpu.memory_space<hbm>>
      %dma_wait3A_30 = arith.constant 0 : i32
      %dma_wait3A_31 = arith.constant 0 : i32
      %dma_wait3A_32 = tpu.memref_slice %arg3[%run_scoped3A_1, %add3A, %dma_wait3A_30, %dma_wait3A_31] : memref<2x32x80x125xi32, #tpu.memory_space<hbm>> -> memref<1x1x80x125xi32, #tpu.memory_space<hbm>>
      %dma_wait3A_33 = tpu.memref_squeeze %dma_wait3A_32 : memref<1x1x80x125xi32, #tpu.memory_space<hbm>> -> memref<80x125xi32, #tpu.memory_space<hbm>>
      tpu.wait_dma2 semaphore(%run_scoped3A_19 : memref<!tpu.dma_semaphore, #tpu.memory_space<semaphore_mem>>) src(%dma_wait3A_33 : memref<80x125xi32, #tpu.memory_space<hbm>>) dst(%arg7 : memref<80x125xi32, #tpu.memory_space<vmem>>)
      tpu.yield
    }) : () -> ()
    %eq3A = arith.constant 0 : i32
    %eq3A_2 = arith.cmpi eq, %arg0, %eq3A : i32
    %convert_element_type3A = arith.extui %eq3A_2 : i1 to i32
    %cond3A = arith.constant 0 : i32
    %cond3A_3 = arith.cmpi ne, %convert_element_type3A, %cond3A : i32
    scf.if %cond3A_3 {
      %mul3A_19 = arith.constant 640 : i32
      %mul3A_20 = arith.muli %arg1, %mul3A_19 : i32
      %mul3A_21 = arith.constant 640 : i32
      %mul3A_22 = arith.muli %arg1, %mul3A_21 : i32
      "tpu.region"() ({
        %run_scoped3A_23 = tpu.sem_alloc : memref<!tpu.dma_semaphore, #tpu.memory_space<semaphore_mem>>
        %dma_start3A = arith.constant 0 : i32
        %dma_start3A_24 = tpu.memref_slice %arg9[%mul3A_22, %dma_start3A] : memref<10240x128xf32, #tpu.memory_space<vmem_shared>> -> memref<640x128xf32, #tpu.memory_space<vmem_shared>>
        %dma_start3A_25 = arith.constant 0 : i32
        %dma_start3A_26 = tpu.memref_slice %arg2[%mul3A_20, %dma_start3A_25] : memref<10240x128xf32, #tpu.memory_space<hbm>> -> memref<640x128xf32, #tpu.memory_space<hbm>>
        tpu.enqueue_dma source(%dma_start3A_26 : memref<640x128xf32, #tpu.memory_space<hbm>>) target(%dma_start3A_24 : memref<640x128xf32, #tpu.memory_space<vmem_shared>>) target_semaphore(%run_scoped3A_23 : memref<!tpu.dma_semaphore, #tpu.memory_space<semaphore_mem>>)
        %dma_wait3A = arith.constant 0 : i32
        %dma_wait3A_27 = tpu.memref_slice %arg9[%mul3A_22, %dma_wait3A] : memref<10240x128xf32, #tpu.memory_space<vmem_shared>> -> memref<640x128xf32, #tpu.memory_space<vmem_shared>>
        %dma_wait3A_28 = arith.constant 0 : i32
        %dma_wait3A_29 = tpu.memref_slice %arg2[%mul3A_20, %dma_wait3A_28] : memref<10240x128xf32, #tpu.memory_space<hbm>> -> memref<640x128xf32, #tpu.memory_space<hbm>>
        tpu.wait_dma2 semaphore(%run_scoped3A_23 : memref<!tpu.dma_semaphore, #tpu.memory_space<semaphore_mem>>) src(%dma_wait3A_29 : memref<640x128xf32, #tpu.memory_space<hbm>>) dst(%dma_wait3A_27 : memref<640x128xf32, #tpu.memory_space<vmem_shared>>)
        tpu.yield
      }) : () -> ()
    } else {
    }
    %eq3A_4 = arith.constant 1 : i32
    %eq3A_5 = arith.cmpi eq, %arg0, %eq3A_4 : i32
    %convert_element_type3A_6 = arith.extui %eq3A_5 : i1 to i32
    %cond3A_7 = arith.constant 0 : i32
    %cond3A_8 = arith.cmpi ne, %convert_element_type3A_6, %cond3A_7 : i32
    scf.if %cond3A_8 {
      %mul3A_19 = arith.constant 640 : i32
      %mul3A_20 = arith.muli %arg1, %mul3A_19 : i32
      "tpu.region"() ({
        %run_scoped3A_21 = tpu.sem_alloc : memref<!tpu.dma_semaphore, #tpu.memory_space<semaphore_mem>>
        %dma_start3A = arith.constant 0 : i32
        %dma_start3A_22 = tpu.memref_slice %arg9[%mul3A_20, %dma_start3A] : memref<10240x128xf32, #tpu.memory_space<vmem_shared>> -> memref<640x128xf32, #tpu.memory_space<vmem_shared>>
        tpu.enqueue_dma source(%arg4 : memref<640x128xf32, #tpu.memory_space<hbm>>) target(%dma_start3A_22 : memref<640x128xf32, #tpu.memory_space<vmem_shared>>) target_semaphore(%run_scoped3A_21 : memref<!tpu.dma_semaphore, #tpu.memory_space<semaphore_mem>>)
        %dma_wait3A = arith.constant 0 : i32
        %dma_wait3A_23 = tpu.memref_slice %arg9[%mul3A_20, %dma_wait3A] : memref<10240x128xf32, #tpu.memory_space<vmem_shared>> -> memref<640x128xf32, #tpu.memory_space<vmem_shared>>
        tpu.wait_dma2 semaphore(%run_scoped3A_21 : memref<!tpu.dma_semaphore, #tpu.memory_space<semaphore_mem>>) src(%arg4 : memref<640x128xf32, #tpu.memory_space<hbm>>) dst(%dma_wait3A_23 : memref<640x128xf32, #tpu.memory_space<vmem_shared>>)
        tpu.yield
      }) : () -> ()
    } else {
    }
    %barrier3A = arith.constant 0 : index
    tpu.barrier barrier_id(%barrier3A)
    %scan3A = arith.constant 0 : i32
    %scan3A_9 = arith.constant 0 : i32
    %scan3A_10 = arith.constant 80 : i32
    %scan3A_11 = arith.addi %scan3A_9, %scan3A_10 : i32
    %scan3A_12 = arith.constant 1 : i32
    scf.for %scan3A_19 = %scan3A_9 to %scan3A_11 step %scan3A_12  : i32 {
      %dma_start3A = arith.constant 0 : i32
      %dma_start3A_20 = tpu.memref_slice %arg6[%scan3A_19, %dma_start3A] : memref<80x125xi32, #tpu.memory_space<vmem>> -> memref<1x125xi32, #tpu.memory_space<vmem>>
      %dma_start3A_21 = tpu.memref_squeeze %dma_start3A_20 : memref<1x125xi32, #tpu.memory_space<vmem>> -> memref<125xi32, #tpu.memory_space<vmem>>
      %dma_start3A_22 = arith.constant 0 : i32
      %dma_start3A_23 = arith.constant 0 : i32
      %dma_start3A_24 = tpu.memref_slice %arg2[%dma_start3A_22, %dma_start3A_23] : memref<10240x128xf32, #tpu.memory_space<hbm>> -> memref<10240x128xf32, #tpu.memory_space<hbm>>
      tpu.enqueue_indirect_dma source(%dma_start3A_24 : memref<10240x128xf32, #tpu.memory_space<hbm>>) target(%arg8 : memref<125x128xf32, #tpu.memory_space<vmem>>) offsets(%dma_start3A_21 : memref<125xi32, #tpu.memory_space<vmem>>) semaphore(%arg10 : memref<!tpu.dma_semaphore, #tpu.memory_space<semaphore_mem>>)
      %dma_wait3A = arith.constant 0 : i32
      %dma_wait3A_25 = tpu.memref_slice %arg6[%scan3A_19, %dma_wait3A] : memref<80x125xi32, #tpu.memory_space<vmem>> -> memref<1x125xi32, #tpu.memory_space<vmem>>
      %dma_wait3A_26 = tpu.memref_squeeze %dma_wait3A_25 : memref<1x125xi32, #tpu.memory_space<vmem>> -> memref<125xi32, #tpu.memory_space<vmem>>
      %dma_wait3A_27 = arith.constant 0 : i32
      %dma_wait3A_28 = arith.constant 0 : i32
      %dma_wait3A_29 = tpu.memref_slice %arg2[%dma_wait3A_27, %dma_wait3A_28] : memref<10240x128xf32, #tpu.memory_space<hbm>> -> memref<10240x128xf32, #tpu.memory_space<hbm>>
      tpu.wait_indirect_dma semaphore(%arg10 : memref<!tpu.dma_semaphore, #tpu.memory_space<semaphore_mem>>) src(%dma_wait3A_29 : memref<10240x128xf32, #tpu.memory_space<hbm>>) dst(%arg8 : memref<125x128xf32, #tpu.memory_space<vmem>>)
      "tpu.region"() ({
        %run_scoped3A_30 = tpu.sem_alloc : memref<!tpu.dma_semaphore, #tpu.memory_space<semaphore_mem>>
        %dma_start3A_31 = arith.constant 0 : i32
        %dma_start3A_32 = tpu.memref_slice %arg7[%scan3A_19, %dma_start3A_31] : memref<80x125xi32, #tpu.memory_space<vmem>> -> memref<1x125xi32, #tpu.memory_space<vmem>>
        %dma_start3A_33 = tpu.memref_squeeze %dma_start3A_32 : memref<1x125xi32, #tpu.memory_space<vmem>> -> memref<125xi32, #tpu.memory_space<vmem>>
        %dma_start3A_34 = arith.constant 0 : i32
        %dma_start3A_35 = arith.constant 0 : i32
        %dma_start3A_36 = tpu.memref_slice %arg9[%dma_start3A_34, %dma_start3A_35] : memref<10240x128xf32, #tpu.memory_space<vmem_shared>> -> memref<10240x128xf32, #tpu.memory_space<vmem_shared>>
        tpu.enqueue_indirect_dma source(%arg8 : memref<125x128xf32, #tpu.memory_space<vmem>>) target(%dma_start3A_36 : memref<10240x128xf32, #tpu.memory_space<vmem_shared>>) offsets(%dma_start3A_33 : memref<125xi32, #tpu.memory_space<vmem>>) semaphore(%run_scoped3A_30 : memref<!tpu.dma_semaphore, #tpu.memory_space<semaphore_mem>>) {add = true}
        %dma_wait3A_37 = arith.constant 0 : i32
        %dma_wait3A_38 = tpu.memref_slice %arg7[%scan3A_19, %dma_wait3A_37] : memref<80x125xi32, #tpu.memory_space<vmem>> -> memref<1x125xi32, #tpu.memory_space<vmem>>
        %dma_wait3A_39 = tpu.memref_squeeze %dma_wait3A_38 : memref<1x125xi32, #tpu.memory_space<vmem>> -> memref<125xi32, #tpu.memory_space<vmem>>
        %dma_wait3A_40 = arith.constant 0 : i32
        %dma_wait3A_41 = arith.constant 0 : i32
        %dma_wait3A_42 = tpu.memref_slice %arg9[%dma_wait3A_40, %dma_wait3A_41] : memref<10240x128xf32, #tpu.memory_space<vmem_shared>> -> memref<10240x128xf32, #tpu.memory_space<vmem_shared>>
        tpu.wait_indirect_dma semaphore(%run_scoped3A_30 : memref<!tpu.dma_semaphore, #tpu.memory_space<semaphore_mem>>) src(%arg8 : memref<125x128xf32, #tpu.memory_space<vmem>>) dst(%dma_wait3A_42 : memref<10240x128xf32, #tpu.memory_space<vmem_shared>>)
        tpu.yield
      }) : () -> ()
    }
    %scan3A_13 = arith.constant 80 : i32
    %barrier3A_14 = arith.constant 0 : index
    tpu.barrier barrier_id(%barrier3A_14)
    %mul3A_15 = arith.constant 640 : i32
    %mul3A_16 = arith.muli %arg1, %mul3A_15 : i32
    %mul3A_17 = arith.constant 640 : i32
    %mul3A_18 = arith.muli %arg1, %mul3A_17 : i32
    "tpu.region"() ({
      %run_scoped3A_19 = tpu.sem_alloc : memref<!tpu.dma_semaphore, #tpu.memory_space<semaphore_mem>>
      %dma_start3A = arith.constant 0 : i32
      %dma_start3A_20 = tpu.memref_slice %arg5[%arg0, %mul3A_18, %dma_start3A] : memref<2x10240x128xf32, #tpu.memory_space<hbm>> -> memref<1x640x128xf32, #tpu.memory_space<hbm>>
      %dma_start3A_21 = tpu.memref_squeeze %dma_start3A_20 : memref<1x640x128xf32, #tpu.memory_space<hbm>> -> memref<640x128xf32, #tpu.memory_space<hbm>>
      %dma_start3A_22 = arith.constant 0 : i32
      %dma_start3A_23 = tpu.memref_slice %arg9[%mul3A_16, %dma_start3A_22] : memref<10240x128xf32, #tpu.memory_space<vmem_shared>> -> memref<640x128xf32, #tpu.memory_space<vmem_shared>>
      tpu.enqueue_dma source(%dma_start3A_23 : memref<640x128xf32, #tpu.memory_space<vmem_shared>>) target(%dma_start3A_21 : memref<640x128xf32, #tpu.memory_space<hbm>>) target_semaphore(%run_scoped3A_19 : memref<!tpu.dma_semaphore, #tpu.memory_space<semaphore_mem>>)
      %dma_wait3A = arith.constant 0 : i32
      %dma_wait3A_24 = tpu.memref_slice %arg5[%arg0, %mul3A_18, %dma_wait3A] : memref<2x10240x128xf32, #tpu.memory_space<hbm>> -> memref<1x640x128xf32, #tpu.memory_space<hbm>>
      %dma_wait3A_25 = tpu.memref_squeeze %dma_wait3A_24 : memref<1x640x128xf32, #tpu.memory_space<hbm>> -> memref<640x128xf32, #tpu.memory_space<hbm>>
      %dma_wait3A_26 = arith.constant 0 : i32
      %dma_wait3A_27 = tpu.memref_slice %arg9[%mul3A_16, %dma_wait3A_26] : memref<10240x128xf32, #tpu.memory_space<vmem_shared>> -> memref<640x128xf32, #tpu.memory_space<vmem_shared>>
      tpu.wait_dma2 semaphore(%run_scoped3A_19 : memref<!tpu.dma_semaphore, #tpu.memory_space<semaphore_mem>>) src(%dma_wait3A_27 : memref<640x128xf32, #tpu.memory_space<vmem_shared>>) dst(%dma_wait3A_25 : memref<640x128xf32, #tpu.memory_space<hbm>>)
      tpu.yield
    }) : () -> ()
    return
  }
}

module attributes {stable_mosaic.version = 14 : i64} {
  func.func @_tc_layer_body(%arg0: memref<2x10240x128xf32, #tpu.memory_space<vmem>>, %arg1: memref<128x128xf32, #tpu.memory_space<vmem>>, %arg2: memref<1x128xf32, #tpu.memory_space<vmem>>, %arg3: memref<128x128xf32, #tpu.memory_space<vmem>>, %arg4: memref<1x128xf32, #tpu.memory_space<vmem>>, %arg5: memref<1x128xf32, #tpu.memory_space<vmem>>, %arg6: memref<1x128xf32, #tpu.memory_space<vmem>>, %arg7: memref<10240x128xf32, #tpu.memory_space<vmem>>) attributes {dimension_semantics = [], scalar_prefetch = 0 : i64, scratch_operands = 0 : i64, tpu.core_type = #tpu.core_type<tc>} {
    %get3A = arith.constant 0 : index
    %get3A_0 = arith.constant 0 : index
    %get3A_1 = arith.constant 0 : index
    %get3A_2 = vector.load %arg0[%get3A, %get3A_0, %get3A_1] : memref<2x10240x128xf32, #tpu.memory_space<vmem>>, vector<1x10000x128xf32>
    %get3A_3 = vector.shape_cast %get3A_2 : vector<1x10000x128xf32> to vector<10000x128xf32>
    %get3A_4 = arith.constant 1 : index
    %get3A_5 = arith.constant 0 : index
    %get3A_6 = arith.constant 0 : index
    %get3A_7 = vector.load %arg0[%get3A_4, %get3A_5, %get3A_6] : memref<2x10240x128xf32, #tpu.memory_space<vmem>>, vector<1x10000x128xf32>
    %get3A_8 = vector.shape_cast %get3A_7 : vector<1x10000x128xf32> to vector<10000x128xf32>
    %add3A = arith.addf %get3A_3, %get3A_8 : vector<10000x128xf32>
    %get3A_9 = arith.constant 0 : index
    %get3A_10 = arith.constant 0 : index
    %get3A_11 = vector.load %arg1[%get3A_9, %get3A_10] : memref<128x128xf32, #tpu.memory_space<vmem>>, vector<128x128xf32>
    %dot_general3A = arith.constant dense<0.000000e+00> : vector<10000x128xf32>
    %dot_general3A_12 = tpu.matmul %add3A, %get3A_11, %dot_general3A {dimension_numbers = #tpu.dot_dimension_numbers<[1], [0], [0], [1], [0, 0, 1, 1], [], []>, transpose_lhs_hint = false} : vector<10000x128xf32>, vector<128x128xf32>, vector<10000x128xf32> -> vector<10000x128xf32>
    %get3A_13 = arith.constant 0 : index
    %get3A_14 = arith.constant 0 : index
    %get3A_15 = vector.load %arg2[%get3A_13, %get3A_14] : memref<1x128xf32, #tpu.memory_space<vmem>>, vector<1x128xf32>
    %add3A_16 = vector.broadcast %get3A_15 : vector<1x128xf32> to vector<10000x128xf32>
    %add3A_17 = arith.addf %dot_general3A_12, %add3A_16 : vector<10000x128xf32>
    %max3A = arith.constant 0.000000e+00 : f32
    %max3A_18 = vector.broadcast %max3A : f32 to vector<10000x128xf32>
    %max3A_19 = arith.maximumf %add3A_17, %max3A_18 : vector<10000x128xf32>
    %get3A_20 = arith.constant 0 : index
    %get3A_21 = arith.constant 0 : index
    %get3A_22 = vector.load %arg3[%get3A_20, %get3A_21] : memref<128x128xf32, #tpu.memory_space<vmem>>, vector<128x128xf32>
    %dot_general3A_23 = arith.constant dense<0.000000e+00> : vector<10000x128xf32>
    %dot_general3A_24 = tpu.matmul %max3A_19, %get3A_22, %dot_general3A_23 {dimension_numbers = #tpu.dot_dimension_numbers<[1], [0], [0], [1], [0, 0, 1, 1], [], []>, transpose_lhs_hint = false} : vector<10000x128xf32>, vector<128x128xf32>, vector<10000x128xf32> -> vector<10000x128xf32>
    %get3A_25 = arith.constant 0 : index
    %get3A_26 = arith.constant 0 : index
    %get3A_27 = vector.load %arg4[%get3A_25, %get3A_26] : memref<1x128xf32, #tpu.memory_space<vmem>>, vector<1x128xf32>
    %add3A_28 = vector.broadcast %get3A_27 : vector<1x128xf32> to vector<10000x128xf32>
    %add3A_29 = arith.addf %dot_general3A_24, %add3A_28 : vector<10000x128xf32>
    %reduce_sum3A = arith.constant dense<0.000000e+00> : vector<128xf32>
    %reduce_sum3A_30 = vector.multi_reduction <add>, %add3A_29, %reduce_sum3A [0] : vector<10000x128xf32> to vector<128xf32>
    %broadcast_in_dim3A = vector.shape_cast %reduce_sum3A_30 : vector<128xf32> to vector<1x128xf32>
    %div3A = arith.constant 1.000000e+04 : f32
    %div3A_31 = vector.broadcast %div3A : f32 to vector<1x128xf32>
    %div3A_32 = arith.divf %broadcast_in_dim3A, %div3A_31 : vector<1x128xf32>
    %sub3A = vector.broadcast %div3A_32 : vector<1x128xf32> to vector<10000x128xf32>
    %sub3A_33 = arith.subf %add3A_29, %sub3A : vector<10000x128xf32>
    %mul3A = arith.mulf %sub3A_33, %sub3A_33 : vector<10000x128xf32>
    %reduce_sum3A_34 = arith.constant dense<0.000000e+00> : vector<128xf32>
    %reduce_sum3A_35 = vector.multi_reduction <add>, %mul3A, %reduce_sum3A_34 [0] : vector<10000x128xf32> to vector<128xf32>
    %broadcast_in_dim3A_36 = vector.shape_cast %reduce_sum3A_35 : vector<128xf32> to vector<1x128xf32>
    %div3A_37 = arith.constant 1.000000e+04 : f32
    %div3A_38 = vector.broadcast %div3A_37 : f32 to vector<1x128xf32>
    %div3A_39 = arith.divf %broadcast_in_dim3A_36, %div3A_38 : vector<1x128xf32>
    %add3A_40 = arith.constant 9.99999974E-6 : f32
    %add3A_41 = vector.broadcast %add3A_40 : f32 to vector<1x128xf32>
    %add3A_42 = arith.addf %div3A_39, %add3A_41 : vector<1x128xf32>
    %rsqrt3A = math.rsqrt %add3A_42 : vector<1x128xf32>
    %mul3A_43 = vector.broadcast %rsqrt3A : vector<1x128xf32> to vector<10000x128xf32>
    %mul3A_44 = arith.mulf %sub3A_33, %mul3A_43 : vector<10000x128xf32>
    %get3A_45 = arith.constant 0 : index
    %get3A_46 = arith.constant 0 : index
    %get3A_47 = vector.load %arg5[%get3A_45, %get3A_46] : memref<1x128xf32, #tpu.memory_space<vmem>>, vector<1x128xf32>
    %mul3A_48 = vector.broadcast %get3A_47 : vector<1x128xf32> to vector<10000x128xf32>
    %mul3A_49 = arith.mulf %mul3A_44, %mul3A_48 : vector<10000x128xf32>
    %get3A_50 = arith.constant 0 : index
    %get3A_51 = arith.constant 0 : index
    %get3A_52 = vector.load %arg6[%get3A_50, %get3A_51] : memref<1x128xf32, #tpu.memory_space<vmem>>, vector<1x128xf32>
    %add3A_53 = vector.broadcast %get3A_52 : vector<1x128xf32> to vector<10000x128xf32>
    %add3A_54 = arith.addf %mul3A_49, %add3A_53 : vector<10000x128xf32>
    %max3A_55 = arith.constant 0.000000e+00 : f32
    %max3A_56 = vector.broadcast %max3A_55 : f32 to vector<10000x128xf32>
    %max3A_57 = arith.maximumf %add3A_54, %max3A_56 : vector<10000x128xf32>
    %swap3A = arith.constant 0 : index
    %swap3A_58 = arith.constant 0 : index
    %swap3A_59 = vector.load %arg7[%swap3A, %swap3A_58] : memref<10240x128xf32, #tpu.memory_space<vmem>>, vector<10000x128xf32>
    tpu.vector_store %arg7[%swap3A, %swap3A_58], %max3A_57 {strides = array<i32>} : memref<10240x128xf32, #tpu.memory_space<vmem>>, vector<10000x128xf32>,
    %broadcast_in_dim3A_60 = arith.constant 0.000000e+00 : f32
    %broadcast_in_dim3A_61 = vector.broadcast %broadcast_in_dim3A_60 : f32 to vector<240x128xf32>
    %swap3A_62 = arith.constant 10000 : index
    %swap3A_63 = arith.constant 0 : index
    %swap3A_64 = vector.load %arg7[%swap3A_62, %swap3A_63] : memref<10240x128xf32, #tpu.memory_space<vmem>>, vector<240x128xf32>
    tpu.vector_store %arg7[%swap3A_62, %swap3A_63], %broadcast_in_dim3A_61 {strides = array<i32>} : memref<10240x128xf32, #tpu.memory_space<vmem>>, vector<240x128xf32>,
    return
  }
}

module attributes {stable_mosaic.version = 14 : i64} {
  func.func @_tc_last_body(%arg0: memref<2x10240x128xf32, #tpu.memory_space<vmem>>, %arg1: memref<128x128xf32, #tpu.memory_space<vmem>>, %arg2: memref<1x128xf32, #tpu.memory_space<vmem>>, %arg3: memref<128x128xf32, #tpu.memory_space<vmem>>, %arg4: memref<1x128xf32, #tpu.memory_space<vmem>>, %arg5: memref<1x128xf32, #tpu.memory_space<vmem>>, %arg6: memref<1x128xf32, #tpu.memory_space<vmem>>, %arg7: memref<1x10000xi32, #tpu.memory_space<vmem>>, %arg8: memref<128x128xf32, #tpu.memory_space<vmem>>, %arg9: memref<1x128xf32, #tpu.memory_space<vmem>>, %arg10: memref<128x1xf32, #tpu.memory_space<vmem>>, %arg11: memref<1x1xf32, #tpu.memory_space<vmem>>, %arg12: memref<64x1xf32, #tpu.memory_space<vmem>>) attributes {dimension_semantics = [], scalar_prefetch = 0 : i64, scratch_operands = 0 : i64, tpu.core_type = #tpu.core_type<tc>} {
    %get3A = arith.constant 0 : index
    %get3A_0 = arith.constant 0 : index
    %get3A_1 = arith.constant 0 : index
    %get3A_2 = vector.load %arg0[%get3A, %get3A_0, %get3A_1] : memref<2x10240x128xf32, #tpu.memory_space<vmem>>, vector<1x10000x128xf32>
    %get3A_3 = vector.shape_cast %get3A_2 : vector<1x10000x128xf32> to vector<10000x128xf32>
    %get3A_4 = arith.constant 1 : index
    %get3A_5 = arith.constant 0 : index
    %get3A_6 = arith.constant 0 : index
    %get3A_7 = vector.load %arg0[%get3A_4, %get3A_5, %get3A_6] : memref<2x10240x128xf32, #tpu.memory_space<vmem>>, vector<1x10000x128xf32>
    %get3A_8 = vector.shape_cast %get3A_7 : vector<1x10000x128xf32> to vector<10000x128xf32>
    %add3A = arith.addf %get3A_3, %get3A_8 : vector<10000x128xf32>
    %get3A_9 = arith.constant 0 : index
    %get3A_10 = arith.constant 0 : index
    %get3A_11 = vector.load %arg1[%get3A_9, %get3A_10] : memref<128x128xf32, #tpu.memory_space<vmem>>, vector<128x128xf32>
    %dot_general3A = arith.constant dense<0.000000e+00> : vector<10000x128xf32>
    %dot_general3A_12 = tpu.matmul %add3A, %get3A_11, %dot_general3A {dimension_numbers = #tpu.dot_dimension_numbers<[1], [0], [0], [1], [0, 0, 1, 1], [], []>, transpose_lhs_hint = false} : vector<10000x128xf32>, vector<128x128xf32>, vector<10000x128xf32> -> vector<10000x128xf32>
    %get3A_13 = arith.constant 0 : index
    %get3A_14 = arith.constant 0 : index
    %get3A_15 = vector.load %arg2[%get3A_13, %get3A_14] : memref<1x128xf32, #tpu.memory_space<vmem>>, vector<1x128xf32>
    %add3A_16 = vector.broadcast %get3A_15 : vector<1x128xf32> to vector<10000x128xf32>
    %add3A_17 = arith.addf %dot_general3A_12, %add3A_16 : vector<10000x128xf32>
    %max3A = arith.constant 0.000000e+00 : f32
    %max3A_18 = vector.broadcast %max3A : f32 to vector<10000x128xf32>
    %max3A_19 = arith.maximumf %add3A_17, %max3A_18 : vector<10000x128xf32>
    %get3A_20 = arith.constant 0 : index
    %get3A_21 = arith.constant 0 : index
    %get3A_22 = vector.load %arg3[%get3A_20, %get3A_21] : memref<128x128xf32, #tpu.memory_space<vmem>>, vector<128x128xf32>
    %dot_general3A_23 = arith.constant dense<0.000000e+00> : vector<10000x128xf32>
    %dot_general3A_24 = tpu.matmul %max3A_19, %get3A_22, %dot_general3A_23 {dimension_numbers = #tpu.dot_dimension_numbers<[1], [0], [0], [1], [0, 0, 1, 1], [], []>, transpose_lhs_hint = false} : vector<10000x128xf32>, vector<128x128xf32>, vector<10000x128xf32> -> vector<10000x128xf32>
    %get3A_25 = arith.constant 0 : index
    %get3A_26 = arith.constant 0 : index
    %get3A_27 = vector.load %arg4[%get3A_25, %get3A_26] : memref<1x128xf32, #tpu.memory_space<vmem>>, vector<1x128xf32>
    %add3A_28 = vector.broadcast %get3A_27 : vector<1x128xf32> to vector<10000x128xf32>
    %add3A_29 = arith.addf %dot_general3A_24, %add3A_28 : vector<10000x128xf32>
    %reduce_sum3A = arith.constant dense<0.000000e+00> : vector<128xf32>
    %reduce_sum3A_30 = vector.multi_reduction <add>, %add3A_29, %reduce_sum3A [0] : vector<10000x128xf32> to vector<128xf32>
    %broadcast_in_dim3A = vector.shape_cast %reduce_sum3A_30 : vector<128xf32> to vector<1x128xf32>
    %div3A = arith.constant 1.000000e+04 : f32
    %div3A_31 = vector.broadcast %div3A : f32 to vector<1x128xf32>
    %div3A_32 = arith.divf %broadcast_in_dim3A, %div3A_31 : vector<1x128xf32>
    %sub3A = vector.broadcast %div3A_32 : vector<1x128xf32> to vector<10000x128xf32>
    %sub3A_33 = arith.subf %add3A_29, %sub3A : vector<10000x128xf32>
    %mul3A = arith.mulf %sub3A_33, %sub3A_33 : vector<10000x128xf32>
    %reduce_sum3A_34 = arith.constant dense<0.000000e+00> : vector<128xf32>
    %reduce_sum3A_35 = vector.multi_reduction <add>, %mul3A, %reduce_sum3A_34 [0] : vector<10000x128xf32> to vector<128xf32>
    %broadcast_in_dim3A_36 = vector.shape_cast %reduce_sum3A_35 : vector<128xf32> to vector<1x128xf32>
    %div3A_37 = arith.constant 1.000000e+04 : f32
    %div3A_38 = vector.broadcast %div3A_37 : f32 to vector<1x128xf32>
    %div3A_39 = arith.divf %broadcast_in_dim3A_36, %div3A_38 : vector<1x128xf32>
    %add3A_40 = arith.constant 9.99999974E-6 : f32
    %add3A_41 = vector.broadcast %add3A_40 : f32 to vector<1x128xf32>
    %add3A_42 = arith.addf %div3A_39, %add3A_41 : vector<1x128xf32>
    %rsqrt3A = math.rsqrt %add3A_42 : vector<1x128xf32>
    %mul3A_43 = vector.broadcast %rsqrt3A : vector<1x128xf32> to vector<10000x128xf32>
    %mul3A_44 = arith.mulf %sub3A_33, %mul3A_43 : vector<10000x128xf32>
    %get3A_45 = arith.constant 0 : index
    %get3A_46 = arith.constant 0 : index
    %get3A_47 = vector.load %arg5[%get3A_45, %get3A_46] : memref<1x128xf32, #tpu.memory_space<vmem>>, vector<1x128xf32>
    %mul3A_48 = vector.broadcast %get3A_47 : vector<1x128xf32> to vector<10000x128xf32>
    %mul3A_49 = arith.mulf %mul3A_44, %mul3A_48 : vector<10000x128xf32>
    %get3A_50 = arith.constant 0 : index
    %get3A_51 = arith.constant 0 : index
    %get3A_52 = vector.load %arg6[%get3A_50, %get3A_51] : memref<1x128xf32, #tpu.memory_space<vmem>>, vector<1x128xf32>
    %add3A_53 = vector.broadcast %get3A_52 : vector<1x128xf32> to vector<10000x128xf32>
    %add3A_54 = arith.addf %mul3A_49, %add3A_53 : vector<10000x128xf32>
    %max3A_55 = arith.constant 0.000000e+00 : f32
    %max3A_56 = vector.broadcast %max3A_55 : f32 to vector<10000x128xf32>
    %max3A_57 = arith.maximumf %add3A_54, %max3A_56 : vector<10000x128xf32>
    %get3A_58 = arith.constant 0 : index
    %get3A_59 = arith.constant 0 : index
    %get3A_60 = vector.load %arg7[%get3A_58, %get3A_59] : memref<1x10000xi32, #tpu.memory_space<vmem>>, vector<1x10000xi32>
    %iota3A = tpu.iota {dimensions = array<i32: 0>} : vector<64x10000xi32>
    %eq3A = vector.broadcast %get3A_60 : vector<1x10000xi32> to vector<64x10000xi32>
    %eq3A_61 = arith.cmpi eq, %iota3A, %eq3A : vector<64x10000xi32>
    %convert_element_type3A = arith.extui %eq3A_61 : vector<64x10000xi1> to vector<64x10000xi32>
    %convert_element_type3A_62 = arith.sitofp %convert_element_type3A : vector<64x10000xi32> to vector<64x10000xf32>
    %dot_general3A_63 = arith.constant dense<0.000000e+00> : vector<64x128xf32>
    %dot_general3A_64 = tpu.matmul %convert_element_type3A_62, %max3A_57, %dot_general3A_63 {dimension_numbers = #tpu.dot_dimension_numbers<[1], [0], [0], [1], [0, 0, 1, 1], [], []>, transpose_lhs_hint = false} : vector<64x10000xf32>, vector<10000x128xf32>, vector<64x128xf32> -> vector<64x128xf32>
    %reduce_sum3A_65 = arith.constant dense<0.000000e+00> : vector<64xf32>
    %reduce_sum3A_66 = vector.multi_reduction <add>, %convert_element_type3A_62, %reduce_sum3A_65 [1] : vector<64x10000xf32> to vector<64xf32>
    %broadcast_in_dim3A_67 = vector.shape_cast %reduce_sum3A_66 : vector<64xf32> to vector<64x1xf32>
    %max3A_68 = arith.constant 1.000000e+00 : f32
    %max3A_69 = vector.broadcast %max3A_68 : f32 to vector<64x1xf32>
    %max3A_70 = arith.maximumf %broadcast_in_dim3A_67, %max3A_69 : vector<64x1xf32>
    %div3A_71 = vector.broadcast %max3A_70 : vector<64x1xf32> to vector<64x128xf32>
    %div3A_72 = arith.divf %dot_general3A_64, %div3A_71 : vector<64x128xf32>
    %get3A_73 = arith.constant 0 : index
    %get3A_74 = arith.constant 0 : index
    %get3A_75 = vector.load %arg8[%get3A_73, %get3A_74] : memref<128x128xf32, #tpu.memory_space<vmem>>, vector<128x128xf32>
    %dot_general3A_76 = arith.constant dense<0.000000e+00> : vector<64x128xf32>
    %dot_general3A_77 = tpu.matmul %div3A_72, %get3A_75, %dot_general3A_76 {dimension_numbers = #tpu.dot_dimension_numbers<[1], [0], [0], [1], [0, 0, 1, 1], [], []>, transpose_lhs_hint = false} : vector<64x128xf32>, vector<128x128xf32>, vector<64x128xf32> -> vector<64x128xf32>
    %get3A_78 = arith.constant 0 : index
    %get3A_79 = arith.constant 0 : index
    %get3A_80 = vector.load %arg9[%get3A_78, %get3A_79] : memref<1x128xf32, #tpu.memory_space<vmem>>, vector<1x128xf32>
    %add3A_81 = vector.broadcast %get3A_80 : vector<1x128xf32> to vector<64x128xf32>
    %add3A_82 = arith.addf %dot_general3A_77, %add3A_81 : vector<64x128xf32>
    %max3A_83 = arith.constant 0.000000e+00 : f32
    %max3A_84 = vector.broadcast %max3A_83 : f32 to vector<64x128xf32>
    %max3A_85 = arith.maximumf %add3A_82, %max3A_84 : vector<64x128xf32>
    %get3A_86 = arith.constant 0 : index
    %get3A_87 = arith.constant 0 : index
    %get3A_88 = vector.load %arg10[%get3A_86, %get3A_87] : memref<128x1xf32, #tpu.memory_space<vmem>>, vector<128x1xf32>
    %dot_general3A_89 = arith.constant dense<0.000000e+00> : vector<64x1xf32>
    %dot_general3A_90 = tpu.matmul %max3A_85, %get3A_88, %dot_general3A_89 {dimension_numbers = #tpu.dot_dimension_numbers<[1], [0], [0], [1], [0, 0, 1, 1], [], []>, transpose_lhs_hint = false} : vector<64x128xf32>, vector<128x1xf32>, vector<64x1xf32> -> vector<64x1xf32>
    %get3A_91 = arith.constant 0 : index
    %get3A_92 = arith.constant 0 : index
    %get3A_93 = vector.load %arg11[%get3A_91, %get3A_92] : memref<1x1xf32, #tpu.memory_space<vmem>>, vector<1x1xf32>
    %add3A_94 = vector.broadcast %get3A_93 : vector<1x1xf32> to vector<64x1xf32>
    %add3A_95 = arith.addf %dot_general3A_90, %add3A_94 : vector<64x1xf32>
    %max3A_96 = arith.constant 0.000000e+00 : f32
    %max3A_97 = vector.broadcast %max3A_96 : f32 to vector<64x1xf32>
    %max3A_98 = arith.maximumf %add3A_95, %max3A_97 : vector<64x1xf32>
    %swap3A = arith.constant 0 : index
    %swap3A_99 = arith.constant 0 : index
    %swap3A_100 = vector.load %arg12[%swap3A, %swap3A_99] : memref<64x1xf32, #tpu.memory_space<vmem>>, vector<64x1xf32>
    tpu.vector_store %arg12[%swap3A, %swap3A_99], %max3A_98 {strides = array<i32>} : memref<64x1xf32, #tpu.memory_space<vmem>>, vector<64x1xf32>,
    return
  }
}

</mosaic_0001>

<sc_bundles>
// kernel: kernel.11.cloned.1.call-start
scs
__scs_entry_jumppad:
0x0: {  	(pc) =	sbr.rel $0x88, $3  }
0x1: {  	(tag) =	ssettag $0x0;
	lr =	simm.s32 $0x1  }
0x2: {  	[smem:$0x3F88] =	sst lr;
	_ =	strace $0xD0000000  }
0x3: {  	_ = 	snop  }
0x4: {  	_ = 	snop  }
0x5: {  	_ = 	snop  }
0x6: {  	_ = 	snop  }
0x7: {  	_ = 	snop  }
__scs_overlays_trampoline_lowered:
0x8: {  	[smem:$0x3F97] =	sst s0  }
0x9: {  	[smem:$0x3F98] =	sst s1  }
0xa: {  	[smem:$0x3F99] =	sst s2  }
0xb: {  	[smem:$0x3F9A] =	sst s3  }
0xc: {  	[smem:$0x3F9B] =	sst s4  }
0xd: {  	[smem:$0x3F9C] =	sst s5  }
0xe: {  	[smem:$0x3F9D] =	sst s6  }
0xf: {  	[smem:$0x3F9E] =	sst s7  }
0x10: {  	[smem:$0x3F9F] =	sst s8  }
0x11: {  	[smem:$0x3FA0] =	sst s9;
	s0 =	simm.s32 @!p0 $0x0  }
0x12: {  	s1 =	sld [smem:$0x3F86];
	s0 =	simm.s32 @p0 $0x1  }
0x13: {  	[smem:$0x3FA1] =	sst s0;
	s0 =	simm.s32 @!p1 $0x0  }
0x14: {  	s2 =	sld [smem:$0x3F85];
	s0 =	simm.s32 @p1 $0x1  }
0x15: {  	[smem:$0x3FA2] =	sst s0;
	s0 =	simm.s32 @!p2 $0x0  }
0x16: {  	s3 =	sld [smem:$0x3FDB];
	s0 =	simm.s32 @p2 $0x1  }
0x17: {  	s4 =	simm.s32 $0x1BF5;
	[smem:$0x3FA4] =	sst s0  }
0x18: {  	s0 =	sld [smem:$0x3F87];
	_ =	swait.ge [sflag:s4], $0x0  }
0x19: {  	s7 =	sld [smem:$0x3F88]  }
0x1a: {  	s8 =	sadd.s32 $0xFFFFE003, lr  }
0x1b: {  	s9 =	sadd.s32 $0xFFFFFEF7, lr;
	s5 =	simm.s32 $0xFFFFFFFF;
	p2 =	slt.u32 s8, $0xFFFFF086  }
0x1c: {  	p1 =	slt.u32 s9, $0xF7A;
	s5 =	simm.s32 @!p2 $0x0  }
0x1d: {  	s5 =	simm.s32 @p1 $0x1;
	p0 =	seq.s32 s7, s2  }
0x1e: {  	s7 =	smul.u32 @!p0 $0xF7A, s2;
	p2 =	seq.s32 @!p0 s5, $0x0  }
0x1f: {  	s9 =	smul.u32 $0xF7A, s1;
	s8 =	simm.s32 @!p0 $0x1BF5;
	p2 =	por !p2, p0  }
0x20: {  	[sflag:s8] =	ssyncset.s32 @!p0 $0xFFFFF086;
	s6 =	sadd.s32 @!p0 s3, s7;
	s7 =	simm.s32 @!p0 $0x108  }
0x21: {  	s3 =	sadd.s32 s3, s9;
	s6 =	sadd.s32 @!p0 $0x88, s6;
	s7 =	simm.s32 @p2 $0x1082  }
0x22: {  	[simem:s7], [sflag:s8] =	dma.local @!p0 [hbm:s6], $0xF7A  }
0x23: {  	s9 =	sor.u32 $0xD0000000, s2;
	s6 =	simm.s32 $0x108;
	_ =	swait.ge @!p0 [sflag:s8], $0x0  }
0x24: {  	s3 =	sadd.s32 $0x88, s3;
	s6 =	simm.s32 @!p1 $0x1082;
	[sflag:s4] =	ssyncset.s32 $0xFFFFF086  }
0x25: {  	[simem:s6], [sflag:s4] =	dma.local [hbm:s3], $0xF7A  }
0x26: {  	[smem:$0x3F88] =	sst s1;
	(tag) =	ssettag s2;
	_ =	strace s9  }
0x27: {  	s1 =	sld [smem:$0x3F98]  }
0x28: {  	s2 =	sld [smem:$0x3F99]  }
0x29: {  	s4 =	sld [smem:$0x3F9B]  }
0x2a: {  	p0 =	seq.s32 s5, $0x0;
	s5 =	sld [smem:$0x3F9C]  }
0x2b: {  	s6 =	sld [smem:$0x3F9D]  }
0x2c: {  	s7 =	sld [smem:$0x3F9E]  }
0x2d: {  	s3 =	simm.s32 $0x108;
	s8 =	sld [smem:$0x3F9F]  }
0x2e: {  	s3 =	simm.s32 @!p0 $0x1082;
	s9 =	sld [smem:$0x3FA0]  }
0x2f: {  	lr =	sadd.s32 s0, s3;
	s0 =	sld [smem:$0x3F97]  }
0x30: {  	s3 =	sld [smem:$0x3F9A]  }
0x31: {  	[smem:$0x3FA3] =	sst s10  }
0x32: {  	s10 =	sld [smem:$0x3FA1];
	_ =	sdelay $0x3  }
0x33: {  	p0 =	seq.s32 s10, $0x1;
	s10 =	sld [smem:$0x3FA3];
	_ =	sdelay $0x3  }
0x34: {  	[smem:$0x3FA3] =	sst s10  }
0x35: {  	s10 =	sld [smem:$0x3FA2];
	_ =	sdelay $0x3  }
0x36: {  	p1 =	seq.s32 s10, $0x1;
	s10 =	sld [smem:$0x3FA3];
	_ =	sdelay $0x3  }
0x37: {  	[smem:$0x3FA3] =	sst s10  }
0x38: {  	s10 =	sld [smem:$0x3FA4]  }
0x39: {  	_ = 	snop;
	(pc) =	sbr.ind lr, $3  }
0x3a: {  	_ = 	snop  }
0x3b: {  	_ = 	snop  }
0x3c: {  	p2 =	seq.s32 s10, $0x1;
	s10 =	sld [smem:$0x3FA3]  }
0x3d: {  	_ =	shalt  }
0x3e: {  	_ =	shalt  }
0x3f: {  	_ =	shalt  }
0x40: {  	_ =	shalt  }
0x41: {  	_ =	shalt  }
0x42: {  	_ =	shalt  }
0x43: {  	_ =	shalt  }
0x44: {  	_ =	shalt  }
0x45: {  	_ =	shalt  }
0x46: {  	_ =	shalt  }
0x47: {  	_ =	shalt  }
0x48: {  	_ =	shalt  }
0x49: {  	_ =	shalt  }
0x4a: {  	_ =	shalt  }
0x4b: {  	_ =	shalt  }
0x4c: {  	_ =	shalt  }
0x4d: {  	_ =	shalt  }
0x4e: {  	_ =	shalt  }
0x4f: {  	_ =	shalt  }
0x50: {  	_ =	shalt  }
0x51: {  	_ =	shalt  }
0x52: {  	_ =	shalt  }
0x53: {  	_ =	shalt  }
0x54: {  	_ =	shalt  }
0x55: {  	_ =	shalt  }
0x56: {  	_ =	shalt  }
0x57: {  	_ =	shalt  }
0x58: {  	_ =	shalt  }
0x59: {  	_ =	shalt  }
0x5a: {  	_ =	shalt  }
0x5b: {  	_ =	shalt  }
0x5c: {  	_ =	shalt  }
0x5d: {  	_ =	shalt  }
0x5e: {  	_ =	shalt  }
0x5f: {  	_ =	shalt  }
0x60: {  	_ =	shalt  }
0x61: {  	_ =	shalt  }
0x62: {  	_ =	shalt  }
0x63: {  	_ =	shalt  }
0x64: {  	_ =	shalt  }
0x65: {  	_ =	shalt  }
0x66: {  	_ =	shalt  }
0x67: {  	_ =	shalt  }
0x68: {  	_ =	shalt  }
0x69: {  	_ =	shalt  }
0x6a: {  	_ =	shalt  }
0x6b: {  	_ =	shalt  }
0x6c: {  	_ =	shalt  }
0x6d: {  	_ =	shalt  }
0x6e: {  	_ =	shalt  }
0x6f: {  	_ =	shalt  }
0x70: {  	_ =	shalt  }
0x71: {  	_ =	shalt  }
0x72: {  	_ =	shalt  }
0x73: {  	_ =	shalt  }
0x74: {  	_ =	shalt  }
0x75: {  	_ =	shalt  }
0x76: {  	_ =	shalt  }
0x77: {  	_ =	shalt  }
0x78: {  	_ =	shalt  }
0x79: {  	_ =	shalt  }
0x7a: {  	_ =	shalt  }
0x7b: {  	_ =	shalt  }
0x7c: {  	_ =	shalt  }
0x7d: {  	_ =	shalt  }
0x7e: {  	_ =	shalt  }
0x7f: {  	_ =	shalt  }
0x80: {  	_ =	shalt  }
0x81: {  	_ =	shalt  }
0x82: {  	_ =	shalt  }
0x83: {  	_ =	shalt  }
0x84: {  	_ =	shalt  }
0x85: {  	_ =	shalt  }
0x86: {  	_ =	shalt  }
0x87: {  	_ =	shalt  }
.Lfunc_end0:
.L_simem_size_0:
called_computation.1_lowered:
.L_overlay_start_0:
0x88: {  	s2 =	sld [smem:$0x3FD9]  }
0x89: {  	s3 =	sld [smem:$0x3FFE];
	_ =	sdelay $0x1  }
0x8a: {  	s1 =	srdreg.scid  }
0x8b: {  	s0 =	sand.u32 $0x1, s1  }
0x8c: {  	s16 =	sshll.u32 s0, $0xA;
	s2 =	sadd.s32 s3, s2  }
0x8d: {  	s2 =	sadd.s32 s2, s16  }
0x8e: {  	[smem:$0x3FAF] =	sst s2  }
0x8f: {  	_ = 	snop  }
0x90: {  	(tm) =	ssettm $0x1  }
0x91: {  	s17 =	sld [smem:$0x3FFB];
	_ =	sdelay $0x3  }
0x92: {  	_ =	strace s17  }
0x93: {  	s2 =	sld [smem:$0x3FFC];
	_ =	sdelay $0x3  }
0x94: {  	_ =	strace s2  }
0x95: {  	s2 =	sld [smem:$0x3FFD];
	_ =	sdelay $0x3  }
0x96: {  	_ =	strace s2  }
0x97: {  	_ =	strace $0x8FFFFFFF  }
0x98: {  	s18 =	sld [smem:$0x3FDB];
	_ =	sdelay $0x1  }
0x99: {  	s19 =	simm.s32 $_scs_section_size  }
0x9a: {  	s4 =	simm.s32 $_size__tile_overlayer_lowered;
	s5 =	simm.s32 $_tile_overlayer_lowered  }
0x9b: {  	s22 =	simm.s32 $0x1BFF;
	s21 =	sshll.u32 s5, $0x1;
	s2 =	sadd.s32 s19, s18  }
0x9c: {  	s6 =	simm.s32 $0x0;
	s20 =	sshll.u32 s4, $0x1;
	s4 =	sadd.s32 s21, s2  }
0x9d: {  	[timem:s6], [sflag:s22] =	dma.local [hbm:s4], s20  }
0x9e: {  	_ =	swait.ge [sflag:s22], s20  }
0x9f: {  	s3 =	ssub.s32 $0x0, s20;
	[sflag:s22] =	ssyncset.done $0x0  }
0xa0: {  	[sflag:s22] =	ssyncadd.s32 s3;
	_ =	sdelay $0x1  }
0xa1: {  	s23 =	simm.s32 $0x1B8B  }
0xa2: {  	_ =	swait.ge [sflag:s23], $0x1  }
0xa3: {  	[sflag:s23] =	ssyncset.done $0x0  }
0xa4: {  	s25 =	simm.s32 $0x1B8E;
	s24 =	sld [smem:$0x3FFE];
	[sflag:s23] =	ssyncadd.s32 $0xFFFFFFFF  }
0xa5: {  	s26 =	simm.s32 $execute0_lowered;
	[smem:$0x3FD2] =	sst s25  }
0xa6: {  	s4 =	sshll.u32 s26, $0x1;
	_ =	strace $0x80000049;
	[dreg:$0x1] =	wrdreg $0xFFFFFFFF  }
0xa7: {  	s28 =	simm.s32 $_size_execute0_lowered;
	s2 =	sadd.s32 s2, s4;
	[dreg:$0x0] =	wrdreg $0x0  }
0xa8: {  	s4 =	sshll.u32 s28, $0x1;
	[dreg:$0x2] =	wrdreg s2  }
0xa9: {  	[dreg:$0x3] =	wrdreg s4  }
0xaa: {  	[dreg:$0x4] =	wrdreg $0xC0  }
0xab: {  	_ =	task [dreg:s6], $0x5FFFF  }
0xac: {  	[dreg:$0x1] =	wrdreg $0xFFFFFFFF  }
0xad: {  	[dreg:$0x0] =	wrdreg $0x60  }
0xae: {  	[dreg:$0x2] =	wrdreg s24  }
0xaf: {  	[dreg:$0x3] =	wrdreg $0x90000  }
0xb0: {  	[dreg:$0x4] =	wrdreg $0x9  }
0xb1: {  	_ =	task.clear_ibuf [dreg:s6], $0x5FFFF;
	_ =	strace $0x90000049  }
0xb2: {  	s29 =	simm.s32 $0x9;
	_ =	strace $0x8000004B  }
0xb3: {  	_ =	swait.ge [sflag:s29], $0x1  }
0xb4: {  	[sflag:s29] =	ssyncadd.s32 $0xFFFFFFFF  }
0xb5: {  	_ =	strace $0x9000004B  }
0xb6: {  	_ =	sfence  }
0xb7: {  	s30 =	sld [smem:$0x0];
	_ =	sdelay $0x2  }
0xb8: {  	s31 =	sshll.u32 s1, $0xD;
	s1 =	sshrl.u32 s1, $0x2  }
0xb9: {  	s3 =	sand.u32 $0x4000, s31;
	s1 =	sadd.s32 s1, s30  }
0xba: {  	s0 =	sor.u32 s3, s0;
	s1 =	sshll.u32 s1, $0x11  }
0xbb: {  	s0 =	sor.u32 s1, s0  }
0xbc: {  	s0 =	sadd.s32 $0x8F2B, s0  }
0xbd: {  	[sflag:s0] =	ssyncadd.remote.s32 $0x1  }
0xbe: {  	_ =	sfence.sel $0xFFFF  }
0xbf: {  	[dreg:$0x0] =	wrdreg $0xFFFFFFFF;
	(pc) =	sbr.abs _section_cstart, $3  }
0xc0: {  	[dreg:$0x1] =	wrdreg $0xFFFFFFFF  }
0xc1: {  	_ =	task.clear_ibuf [dreg:s6], $0x2FFFF;
	_ =	strace $0x9FFFFFFF  }
0xc2: {  	(tm) =	ssettm $0x7FFFFFFF  }
0xc3: {  	_ =	shalt  }
tec
execute0_lowered:
.L_overlay_start_1:
0x0: {  	(tag) =	ssettag $0x1  }
0x1: {  	s1 =	srdreg.scid;
	s5 =	rddreg [dreg:$0x0]  }
0x2: {  	s0 =	stileid.u32;
	s2 =	rddreg [dreg:$0x1];
	s3 =	simm.s32 $0x0  }
0x3: {  	s15 =	simm.s32 $0x5000;
	s16 =	simm.s32 $0x1;
	s17 =	simm.s32 $0x0  }
0x4: {  	s7 =	sand.u32 $0x1, s1;
	s26 =	sshll.u32 s0, $0x1;
	s9 =	smul.u32 $0x14000, s0  }
0x5: {  	[smem:$0x7FF] =	sst s3;
	s12 =	sadd.s32 $0x40400, s5;
	s11 =	smul.u32 $0x50000, s0  }
0x6: {  	s29 =	smul.u32 $0x2800, s0;
	s31 =	sshll.u32 s0, $0x6;
	s1 =	sor.u32 s7, s26  }
0x7: {  	s6 =	smul.u32 $0x140000, s7;
	s28 =	ssub.s32 $0x2, s7;
	p0 =	seq.s32 s7, $0x1  }
0x8: {  	s4 =	smul.u32 $0x2800, s1;
	s1 =	rddreg [dreg:$0x2];
	_ =	strace $0x8000004A  }
0x9: {  	s10 =	sshrl.u32 s28, $0x1;
	s30 =	sshrl.u32 s11, $0x2;
	s11 =	simm.s32 $0x2800  }
0xa: {  	s6 =	sadd.s32 s9, s6;
	s9 =	ssub.s32 s28, s10;
	s14 =	sadd.s32 s30, s2  }
0xb: {  	s10 =	simm.s32 $0x2;
	s8 =	sshrl.u32 s4, $0x3;
	s4 =	sadd.s32 $0x18400, s5  }
0xc: {  	s6 =	sshrl.u32 s6, $0x3;
	s9 =	smax.u32 s9, $0x1;
	s8 =	sadd.s32 s8, s5  }
0xd: {  	s13 =	sadd.s32 s6, s5;
	s7 =	sadd.s32 s4, s29;
	s5 =	sadd.s32 $0x4400, s8  }
0xe: {  	s6 =	sadd.s32 $0xE400, s8;
	s8 =	sadd.s32 $0x42C00, s13;
	s7 =	smov.u32 @p0 s12  }
0xf: {  	s12 =	sor.u32 $0x1C02, s31;
	s13 =	sshrl.u32 s14, $0x3;
	s14 =	simm.s32 $0x7D  }
.LBB2_1:
0x10: {  	[tilespmem:s3], [sflag:$0x2] =	stream.linear.gather [hbm4b:s5+s3], $0x2800, $0x38;
	[tilespmem:$0x1D000] =	vst v63  }
0x11: {  	_ =	swait.ge [sflag:s10], $0x2800  }
0x12: {  	[sflag:s10] =	ssyncset.done $0x0  }
0x13: {  	[sflag:s10] =	ssyncadd.s32 $0xFFFFD800  }
0x14: {  	[tilespmem:s11], [sflag:$0x2] =	stream.linear.gather [hbm4b:s6+s3], $0x2800, $0x38;
	[tilespmem:$0x1D000] =	vst v63  }
0x15: {  	_ =	swait.ge [sflag:s10], $0x2800  }
0x16: {  	[sflag:s10] =	ssyncset.done $0x0  }
0x17: {  	[sflag:s10] =	ssyncadd.s32 $0xFFFFD800  }
0x18: {  	[spmem:s13], [sflag:s12] =	dma.local [hbm:s7], $0x2800  }
0x19: {  	_ =	swait.ge [sflag:s10], $0x2800  }
0x1a: {  	[sflag:s10] =	ssyncset.done $0x0  }
0x1b: {  	[sflag:s10] =	ssyncadd.s32 $0xFFFFD800  }
0x1c: {  	s18 =	simm.s32 $0x0;
	[bflag:$0x0] =	sbarrier.arrive $0xFFFF  }
0x1d: {  	[tilespmem:s15], [sflag:$0x1] =	stream.indirect.gather [hbm4b:s4+s14], $0x80, s18, s14, $0xb8;
	[tilespmem:$0x1D000] =	vst v63  }
0x1e: {  	_ =	swait.ge [sflag:s16], $0x3E80  }
0x1f: {  	[sflag:s16] =	ssyncset.done $0x0  }
0x20: {  	s31 =	simm.s32 $0x2800;
	[sflag:s16] =	ssyncadd.s32 $0xFFFFC180  }
0x21: {  	[spmem:s2] =	stream.indirect.scatter.add.f32 [tilespmem:s15], [sflag:$0x2], $0x80, s31, s14, $0xb8;
	[tilespmem:$0x1D000] =	vst v63  }
0x22: {  	_ =	swait.ge [sflag:s10], $0x3E80  }
0x23: {  	s19 =	simm.s32 $0x400;
	s18 =	simm.s32 $0x200;
	[sflag:s10] =	ssyncset.done $0x0  }
.LBB2_2:
0x24: {  	s20 =	sshra.s32 s18, $0x2  }
0x25: {  	[sflag:s10] =	ssyncadd.s32 $0xFFFFC180;
	s18 =	smov.u32 s19;
	s21 =	sadd.s32 $0x200, s19  }
0x26: {  	[tilespmem:s15], [sflag:$0x1] =	stream.indirect.gather [hbm4b:s4+s14], $0x80, s20, s14, $0xb8;
	[tilespmem:$0x1D000] =	vst v63  }
0x27: {  	p0 =	sne.s32 s19, $0x9E00;
	_ =	swait.ge [sflag:s16], $0x3E80  }
.Ltmp0:
0x28: {  	[sflag:s16] =	ssyncset.done $0x0;
	(pc) =	sbr.rel @p0 .LBB2_2-.Ltmp0, $4  }
0x29: {  	s19 =	sadd.s32 $0x2800, s20;
	[sflag:s16] =	ssyncadd.s32 $0xFFFFC180  }
0x2a: {  	[spmem:s2] =	stream.indirect.scatter.add.f32 [tilespmem:s15], [sflag:$0x2], $0x80, s19, s14, $0xb8;
	[tilespmem:$0x1D000] =	vst v63  }
0x2b: {  	_ =	swait.ge [sflag:s10], $0x3E80  }
0x2c: {  	s19 =	smov.u32 s21;
	[sflag:s10] =	ssyncset.done $0x0  }
0x2d: {  	s18 =	sshra.s32 s18, $0x2;
	[sflag:s10] =	ssyncadd.s32 $0xFFFFC180  }
0x2e: {  	[tilespmem:s15], [sflag:$0x1] =	stream.indirect.gather [hbm4b:s4+s14], $0x80, s18, s14, $0xb8;
	[tilespmem:$0x1D000] =	vst v63  }
0x2f: {  	_ =	swait.ge [sflag:s16], $0x3E80  }
0x30: {  	[sflag:s16] =	ssyncset.done $0x0  }
0x31: {  	s18 =	sadd.s32 $0x2800, s18;
	[sflag:s16] =	ssyncadd.s32 $0xFFFFC180  }
0x32: {  	[spmem:s2] =	stream.indirect.scatter.add.f32 [tilespmem:s15], [sflag:$0x2], $0x80, s18, s14, $0xb8;
	[tilespmem:$0x1D000] =	vst v63  }
0x33: {  	_ =	swait.ge [sflag:s10], $0x3E80  }
0x34: {  	s17 =	sadd.s32 $0x1, s17;
	[sflag:s10] =	ssyncset.done $0x0  }
0x35: {  	p0 =	sne.s32 s17, s9;
	[sflag:s10] =	ssyncadd.s32 $0xFFFFC180  }
.Ltmp1:
0x36: {  	[bflag:$0x0] =	sbarrier.arrive $0xFFFF;
	(pc) =	sbr.rel @p0 .LBB2_1-.Ltmp1, $4  }
0x37: {  	[hbm:s8], [sflag:s12] =	dma.local [spmem:s13], $0x2800  }
0x38: {  	_ =	swait.ge [sflag:s10], $0x2800  }
0x39: {  	[sflag:s10] =	ssyncset.done $0x0  }
0x3a: {  	[sflag:s10] =	ssyncadd.s32 $0xFFFFD800  }
0x3b: {  	_ =	sfence.sel $0x180000  }
0x3c: {  	[bflag:$0x0] =	sbarrier.arrive $0xFFFF  }
0x3d: {  	p0 =	sne.s32 s0, $0x0;
	_ =	strace $0x9000004A  }
0x3e: {  	s0 =	sadd.s32 @!p0 $0x100000, s1;
	[bflag:$0x2] =	sbarrier.arrive $0xFFFF  }
0x3f: {  	[sflag:s0] =	ssyncadd.tile.s32 @!p0 $0x1;
	_ =	shalt  }
.Lfunc_end2:
_tile_overlayer_lowered:
.L_overlay_start_2:
0x40: {  	(tag) =	ssettag $0x2  }
0x41: {  	s0 =	rddreg [dreg:$0x0];
	s2 =	stileid.u32  }
0x42: {  	s1 =	rddreg [dreg:$0x1];
	p0 =	sne.s32 s2, $0x0  }
0x43: {  	s3 =	rddreg [dreg:$0x2];
	[bflag:$0x3] =	sbarrier.arrive $0xFFFF;
	s2 =	simm.s32 @!p0 $0x1C02  }
0x44: {  	[timem:s3], [sflag:s2] =	dma.local @!p0 [hbm:s0], s1  }
0x45: {  	s0 =	simm.s32 @!p0 $0x2  }
0x46: {  	_ =	swait.ge @!p0 [sflag:s0], s1  }
0x47: {  	s1 =	ssub.s32 @!p0 $0x0, s1;
	[sflag:s0] =	ssyncset.done @!p0 $0x0  }
0x48: {  	[sflag:s0] =	ssyncadd.s32 @!p0 s1  }
0x49: {  	[bflag:$0x3] =	sbarrier.arrive $0xFFFF  }
0x4a: {  	_ =	shalt  }

// kernel: kernel.14.cloned.1.call-start
scs
__scs_entry_jumppad:
0x0: {  	(pc) =	sbr.rel $0x88, $3  }
0x1: {  	(tag) =	ssettag $0x0;
	lr =	simm.s32 $0x1  }
0x2: {  	[smem:$0x3F88] =	sst lr;
	_ =	strace $0xD0000000  }
0x3: {  	_ = 	snop  }
0x4: {  	_ = 	snop  }
0x5: {  	_ = 	snop  }
0x6: {  	_ = 	snop  }
0x7: {  	_ = 	snop  }
__scs_overlays_trampoline_lowered:
0x8: {  	[smem:$0x3F97] =	sst s0  }
0x9: {  	[smem:$0x3F98] =	sst s1  }
0xa: {  	[smem:$0x3F99] =	sst s2  }
0xb: {  	[smem:$0x3F9A] =	sst s3  }
0xc: {  	[smem:$0x3F9B] =	sst s4  }
0xd: {  	[smem:$0x3F9C] =	sst s5  }
0xe: {  	[smem:$0x3F9D] =	sst s6  }
0xf: {  	[smem:$0x3F9E] =	sst s7  }
0x10: {  	[smem:$0x3F9F] =	sst s8  }
0x11: {  	[smem:$0x3FA0] =	sst s9;
	s0 =	simm.s32 @!p0 $0x0  }
0x12: {  	s1 =	sld [smem:$0x3F86];
	s0 =	simm.s32 @p0 $0x1  }
0x13: {  	[smem:$0x3FA1] =	sst s0;
	s0 =	simm.s32 @!p1 $0x0  }
0x14: {  	s2 =	sld [smem:$0x3F85];
	s0 =	simm.s32 @p1 $0x1  }
0x15: {  	[smem:$0x3FA2] =	sst s0;
	s0 =	simm.s32 @!p2 $0x0  }
0x16: {  	s3 =	sld [smem:$0x3FDB];
	s0 =	simm.s32 @p2 $0x1  }
0x17: {  	s4 =	simm.s32 $0x1BF5;
	[smem:$0x3FA4] =	sst s0  }
0x18: {  	s0 =	sld [smem:$0x3F87];
	_ =	swait.ge [sflag:s4], $0x0  }
0x19: {  	s7 =	sld [smem:$0x3F88]  }
0x1a: {  	s8 =	sadd.s32 $0xFFFFE003, lr  }
0x1b: {  	s9 =	sadd.s32 $0xFFFFFEF7, lr;
	s5 =	simm.s32 $0xFFFFFFFF;
	p2 =	slt.u32 s8, $0xFFFFF086  }
0x1c: {  	p1 =	slt.u32 s9, $0xF7A;
	s5 =	simm.s32 @!p2 $0x0  }
0x1d: {  	s5 =	simm.s32 @p1 $0x1;
	p0 =	seq.s32 s7, s2  }
0x1e: {  	s7 =	smul.u32 @!p0 $0xF7A, s2;
	p2 =	seq.s32 @!p0 s5, $0x0  }
0x1f: {  	s9 =	smul.u32 $0xF7A, s1;
	s8 =	simm.s32 @!p0 $0x1BF5;
	p2 =	por !p2, p0  }
0x20: {  	[sflag:s8] =	ssyncset.s32 @!p0 $0xFFFFF086;
	s6 =	sadd.s32 @!p0 s3, s7;
	s7 =	simm.s32 @!p0 $0x108  }
0x21: {  	s3 =	sadd.s32 s3, s9;
	s6 =	sadd.s32 @!p0 $0x88, s6;
	s7 =	simm.s32 @p2 $0x1082  }
0x22: {  	[simem:s7], [sflag:s8] =	dma.local @!p0 [hbm:s6], $0xF7A  }
0x23: {  	s9 =	sor.u32 $0xD0000000, s2;
	s6 =	simm.s32 $0x108;
	_ =	swait.ge @!p0 [sflag:s8], $0x0  }
0x24: {  	s3 =	sadd.s32 $0x88, s3;
	s6 =	simm.s32 @!p1 $0x1082;
	[sflag:s4] =	ssyncset.s32 $0xFFFFF086  }
0x25: {  	[simem:s6], [sflag:s4] =	dma.local [hbm:s3], $0xF7A  }
0x26: {  	[smem:$0x3F88] =	sst s1;
	(tag) =	ssettag s2;
	_ =	strace s9  }
0x27: {  	s1 =	sld [smem:$0x3F98]  }
0x28: {  	s2 =	sld [smem:$0x3F99]  }
0x29: {  	s4 =	sld [smem:$0x3F9B]  }
0x2a: {  	p0 =	seq.s32 s5, $0x0;
	s5 =	sld [smem:$0x3F9C]  }
0x2b: {  	s6 =	sld [smem:$0x3F9D]  }
0x2c: {  	s7 =	sld [smem:$0x3F9E]  }
0x2d: {  	s3 =	simm.s32 $0x108;
	s8 =	sld [smem:$0x3F9F]  }
0x2e: {  	s3 =	simm.s32 @!p0 $0x1082;
	s9 =	sld [smem:$0x3FA0]  }
0x2f: {  	lr =	sadd.s32 s0, s3;
	s0 =	sld [smem:$0x3F97]  }
0x30: {  	s3 =	sld [smem:$0x3F9A]  }
0x31: {  	[smem:$0x3FA3] =	sst s10  }
0x32: {  	s10 =	sld [smem:$0x3FA1];
	_ =	sdelay $0x3  }
0x33: {  	p0 =	seq.s32 s10, $0x1;
	s10 =	sld [smem:$0x3FA3];
	_ =	sdelay $0x3  }
0x34: {  	[smem:$0x3FA3] =	sst s10  }
0x35: {  	s10 =	sld [smem:$0x3FA2];
	_ =	sdelay $0x3  }
0x36: {  	p1 =	seq.s32 s10, $0x1;
	s10 =	sld [smem:$0x3FA3];
	_ =	sdelay $0x3  }
0x37: {  	[smem:$0x3FA3] =	sst s10  }
0x38: {  	s10 =	sld [smem:$0x3FA4]  }
0x39: {  	_ = 	snop;
	(pc) =	sbr.ind lr, $3  }
0x3a: {  	_ = 	snop  }
0x3b: {  	_ = 	snop  }
0x3c: {  	p2 =	seq.s32 s10, $0x1;
	s10 =	sld [smem:$0x3FA3]  }
0x3d: {  	_ =	shalt  }
0x3e: {  	_ =	shalt  }
0x3f: {  	_ =	shalt  }
0x40: {  	_ =	shalt  }
0x41: {  	_ =	shalt  }
0x42: {  	_ =	shalt  }
0x43: {  	_ =	shalt  }
0x44: {  	_ =	shalt  }
0x45: {  	_ =	shalt  }
0x46: {  	_ =	shalt  }
0x47: {  	_ =	shalt  }
0x48: {  	_ =	shalt  }
0x49: {  	_ =	shalt  }
0x4a: {  	_ =	shalt  }
0x4b: {  	_ =	shalt  }
0x4c: {  	_ =	shalt  }
0x4d: {  	_ =	shalt  }
0x4e: {  	_ =	shalt  }
0x4f: {  	_ =	shalt  }
0x50: {  	_ =	shalt  }
0x51: {  	_ =	shalt  }
0x52: {  	_ =	shalt  }
0x53: {  	_ =	shalt  }
0x54: {  	_ =	shalt  }
0x55: {  	_ =	shalt  }
0x56: {  	_ =	shalt  }
0x57: {  	_ =	shalt  }
0x58: {  	_ =	shalt  }
0x59: {  	_ =	shalt  }
0x5a: {  	_ =	shalt  }
0x5b: {  	_ =	shalt  }
0x5c: {  	_ =	shalt  }
0x5d: {  	_ =	shalt  }
0x5e: {  	_ =	shalt  }
0x5f: {  	_ =	shalt  }
0x60: {  	_ =	shalt  }
0x61: {  	_ =	shalt  }
0x62: {  	_ =	shalt  }
0x63: {  	_ =	shalt  }
0x64: {  	_ =	shalt  }
0x65: {  	_ =	shalt  }
0x66: {  	_ =	shalt  }
0x67: {  	_ =	shalt  }
0x68: {  	_ =	shalt  }
0x69: {  	_ =	shalt  }
0x6a: {  	_ =	shalt  }
0x6b: {  	_ =	shalt  }
0x6c: {  	_ =	shalt  }
0x6d: {  	_ =	shalt  }
0x6e: {  	_ =	shalt  }
0x6f: {  	_ =	shalt  }
0x70: {  	_ =	shalt  }
0x71: {  	_ =	shalt  }
0x72: {  	_ =	shalt  }
0x73: {  	_ =	shalt  }
0x74: {  	_ =	shalt  }
0x75: {  	_ =	shalt  }
0x76: {  	_ =	shalt  }
0x77: {  	_ =	shalt  }
0x78: {  	_ =	shalt  }
0x79: {  	_ =	shalt  }
0x7a: {  	_ =	shalt  }
0x7b: {  	_ =	shalt  }
0x7c: {  	_ =	shalt  }
0x7d: {  	_ =	shalt  }
0x7e: {  	_ =	shalt  }
0x7f: {  	_ =	shalt  }
0x80: {  	_ =	shalt  }
0x81: {  	_ =	shalt  }
0x82: {  	_ =	shalt  }
0x83: {  	_ =	shalt  }
0x84: {  	_ =	shalt  }
0x85: {  	_ =	shalt  }
0x86: {  	_ =	shalt  }
0x87: {  	_ =	shalt  }
.Lfunc_end0:
.L_simem_size_0:
called_computation.2_lowered:
.L_overlay_start_0:
0x88: {  	s2 =	sld [smem:$0x3FD9]  }
0x89: {  	s3 =	sld [smem:$0x3FFE];
	_ =	sdelay $0x1  }
0x8a: {  	s1 =	srdreg.scid  }
0x8b: {  	s0 =	sand.u32 $0x1, s1  }
0x8c: {  	s16 =	sshll.u32 s0, $0xA;
	s2 =	sadd.s32 s3, s2  }
0x8d: {  	s2 =	sadd.s32 s2, s16  }
0x8e: {  	[smem:$0x3FAF] =	sst s2  }
0x8f: {  	_ = 	snop  }
0x90: {  	(tm) =	ssettm $0x1  }
0x91: {  	s17 =	sld [smem:$0x3FFB];
	_ =	sdelay $0x3  }
0x92: {  	_ =	strace s17  }
0x93: {  	s2 =	sld [smem:$0x3FFC];
	_ =	sdelay $0x3  }
0x94: {  	_ =	strace s2  }
0x95: {  	s2 =	sld [smem:$0x3FFD];
	_ =	sdelay $0x3  }
0x96: {  	_ =	strace s2  }
0x97: {  	_ =	strace $0x8FFFFFFF  }
0x98: {  	s18 =	sld [smem:$0x3FDB];
	_ =	sdelay $0x1  }
0x99: {  	s19 =	simm.s32 $_scs_section_size  }
0x9a: {  	s4 =	simm.s32 $_size__tile_overlayer_lowered;
	s5 =	simm.s32 $_tile_overlayer_lowered  }
0x9b: {  	s22 =	simm.s32 $0x1BFF;
	s21 =	sshll.u32 s5, $0x1;
	s2 =	sadd.s32 s19, s18  }
0x9c: {  	s6 =	simm.s32 $0x0;
	s20 =	sshll.u32 s4, $0x1;
	s4 =	sadd.s32 s21, s2  }
0x9d: {  	[timem:s6], [sflag:s22] =	dma.local [hbm:s4], s20  }
0x9e: {  	_ =	swait.ge [sflag:s22], s20  }
0x9f: {  	s3 =	ssub.s32 $0x0, s20;
	[sflag:s22] =	ssyncset.done $0x0  }
0xa0: {  	[sflag:s22] =	ssyncadd.s32 s3;
	_ =	sdelay $0x1  }
0xa1: {  	s23 =	simm.s32 $0x1B8B  }
0xa2: {  	_ =	swait.ge [sflag:s23], $0x1  }
0xa3: {  	[sflag:s23] =	ssyncset.done $0x0  }
0xa4: {  	s25 =	simm.s32 $0x1B8E;
	s24 =	sld [smem:$0x3FFE];
	[sflag:s23] =	ssyncadd.s32 $0xFFFFFFFF  }
0xa5: {  	s26 =	simm.s32 $execute0_lowered;
	[smem:$0x3FD2] =	sst s25  }
0xa6: {  	s4 =	sshll.u32 s26, $0x1;
	_ =	strace $0x8000004C;
	[dreg:$0x1] =	wrdreg $0xFFFFFFFF  }
0xa7: {  	s28 =	simm.s32 $_size_execute0_lowered;
	s2 =	sadd.s32 s2, s4;
	[dreg:$0x0] =	wrdreg $0x0  }
0xa8: {  	s4 =	sshll.u32 s28, $0x1;
	[dreg:$0x2] =	wrdreg s2  }
0xa9: {  	[dreg:$0x3] =	wrdreg s4  }
0xaa: {  	[dreg:$0x4] =	wrdreg $0xC0  }
0xab: {  	_ =	task [dreg:s6], $0x5FFFF  }
0xac: {  	[dreg:$0x1] =	wrdreg $0xFFFFFFFF  }
0xad: {  	[dreg:$0x0] =	wrdreg $0x60  }
0xae: {  	[dreg:$0x2] =	wrdreg s24  }
0xaf: {  	[dreg:$0x3] =	wrdreg $0x90000  }
0xb0: {  	[dreg:$0x4] =	wrdreg $0x9  }
0xb1: {  	_ =	task.clear_ibuf [dreg:s6], $0x5FFFF;
	_ =	strace $0x9000004C  }
0xb2: {  	s29 =	simm.s32 $0x9;
	_ =	strace $0x8000004E  }
0xb3: {  	_ =	swait.ge [sflag:s29], $0x1  }
0xb4: {  	[sflag:s29] =	ssyncadd.s32 $0xFFFFFFFF  }
0xb5: {  	_ =	strace $0x9000004E  }
0xb6: {  	_ =	sfence  }
0xb7: {  	s30 =	sld [smem:$0x0];
	_ =	sdelay $0x2  }
0xb8: {  	s31 =	sshll.u32 s1, $0xD;
	s1 =	sshrl.u32 s1, $0x2  }
0xb9: {  	s3 =	sand.u32 $0x4000, s31;
	s1 =	sadd.s32 s1, s30  }
0xba: {  	s0 =	sor.u32 s3, s0;
	s1 =	sshll.u32 s1, $0x11  }
0xbb: {  	s0 =	sor.u32 s1, s0  }
0xbc: {  	s0 =	sadd.s32 $0x8F2B, s0  }
0xbd: {  	[sflag:s0] =	ssyncadd.remote.s32 $0x1  }
0xbe: {  	_ =	sfence.sel $0xFFFF  }
0xbf: {  	[dreg:$0x0] =	wrdreg $0xFFFFFFFF;
	(pc) =	sbr.abs _section_cstart, $3  }
0xc0: {  	[dreg:$0x1] =	wrdreg $0xFFFFFFFF  }
0xc1: {  	_ =	task.clear_ibuf [dreg:s6], $0x2FFFF;
	_ =	strace $0x9FFFFFFF  }
0xc2: {  	(tm) =	ssettm $0x7FFFFFFF  }
0xc3: {  	_ =	shalt  }
tec
execute0_lowered:
.L_overlay_start_1:
0x0: {  	(tag) =	ssettag $0x1  }
0x1: {  	s1 =	srdreg.scid;
	s5 =	rddreg [dreg:$0x0]  }
0x2: {  	s0 =	stileid.u32;
	s2 =	rddreg [dreg:$0x1];
	s3 =	simm.s32 $0x0  }
0x3: {  	s15 =	simm.s32 $0x5000;
	s16 =	simm.s32 $0x1;
	s17 =	simm.s32 $0x0  }
0x4: {  	s7 =	sand.u32 $0x1, s1;
	s26 =	sshll.u32 s0, $0x1;
	s9 =	smul.u32 $0x14000, s0  }
0x5: {  	[smem:$0x7FF] =	sst s3;
	s12 =	sadd.s32 $0x40400, s5;
	s11 =	smul.u32 $0x50000, s0  }
0x6: {  	s29 =	smul.u32 $0x2800, s0;
	s31 =	sshll.u32 s0, $0x6;
	s1 =	sor.u32 s7, s26  }
0x7: {  	s6 =	smul.u32 $0x140000, s7;
	s28 =	ssub.s32 $0x2, s7;
	p0 =	seq.s32 s7, $0x1  }
0x8: {  	s4 =	smul.u32 $0x2800, s1;
	s1 =	rddreg [dreg:$0x2];
	_ =	strace $0x8000004D  }
0x9: {  	s10 =	sshrl.u32 s28, $0x1;
	s30 =	sshrl.u32 s11, $0x2;
	s11 =	simm.s32 $0x2800  }
0xa: {  	s6 =	sadd.s32 s9, s6;
	s9 =	ssub.s32 s28, s10;
	s14 =	sadd.s32 s30, s2  }
0xb: {  	s10 =	simm.s32 $0x2;
	s8 =	sshrl.u32 s4, $0x3;
	s4 =	sadd.s32 $0x18400, s5  }
0xc: {  	s6 =	sshrl.u32 s6, $0x3;
	s9 =	smax.u32 s9, $0x1;
	s8 =	sadd.s32 s8, s5  }
0xd: {  	s13 =	sadd.s32 s6, s5;
	s7 =	sadd.s32 s4, s29;
	s5 =	sadd.s32 $0x4400, s8  }
0xe: {  	s6 =	sadd.s32 $0xE400, s8;
	s8 =	sadd.s32 $0x42C00, s13;
	s7 =	smov.u32 @p0 s12  }
0xf: {  	s12 =	sor.u32 $0x1C02, s31;
	s13 =	sshrl.u32 s14, $0x3;
	s14 =	simm.s32 $0x7D  }
.LBB2_1:
0x10: {  	[tilespmem:s3], [sflag:$0x2] =	stream.linear.gather [hbm4b:s5+s3], $0x2800, $0x38;
	[tilespmem:$0x1D000] =	vst v63  }
0x11: {  	_ =	swait.ge [sflag:s10], $0x2800  }
0x12: {  	[sflag:s10] =	ssyncset.done $0x0  }
0x13: {  	[sflag:s10] =	ssyncadd.s32 $0xFFFFD800  }
0x14: {  	[tilespmem:s11], [sflag:$0x2] =	stream.linear.gather [hbm4b:s6+s3], $0x2800, $0x38;
	[tilespmem:$0x1D000] =	vst v63  }
0x15: {  	_ =	swait.ge [sflag:s10], $0x2800  }
0x16: {  	[sflag:s10] =	ssyncset.done $0x0  }
0x17: {  	[sflag:s10] =	ssyncadd.s32 $0xFFFFD800  }
0x18: {  	[spmem:s13], [sflag:s12] =	dma.local [hbm:s7], $0x2800  }
0x19: {  	_ =	swait.ge [sflag:s10], $0x2800  }
0x1a: {  	[sflag:s10] =	ssyncset.done $0x0  }
0x1b: {  	[sflag:s10] =	ssyncadd.s32 $0xFFFFD800  }
0x1c: {  	s18 =	simm.s32 $0x0;
	[bflag:$0x0] =	sbarrier.arrive $0xFFFF  }
0x1d: {  	[tilespmem:s15], [sflag:$0x1] =	stream.indirect.gather [hbm4b:s4+s14], $0x80, s18, s14, $0xb8;
	[tilespmem:$0x1D000] =	vst v63  }
0x1e: {  	_ =	swait.ge [sflag:s16], $0x3E80  }
0x1f: {  	[sflag:s16] =	ssyncset.done $0x0  }
0x20: {  	s31 =	simm.s32 $0x2800;
	[sflag:s16] =	ssyncadd.s32 $0xFFFFC180  }
0x21: {  	[spmem:s2] =	stream.indirect.scatter.add.f32 [tilespmem:s15], [sflag:$0x2], $0x80, s31, s14, $0xb8;
	[tilespmem:$0x1D000] =	vst v63  }
0x22: {  	_ =	swait.ge [sflag:s10], $0x3E80  }
0x23: {  	s19 =	simm.s32 $0x400;
	s18 =	simm.s32 $0x200;
	[sflag:s10] =	ssyncset.done $0x0  }
.LBB2_2:
0x24: {  	s20 =	sshra.s32 s18, $0x2  }
0x25: {  	[sflag:s10] =	ssyncadd.s32 $0xFFFFC180;
	s18 =	smov.u32 s19;
	s21 =	sadd.s32 $0x200, s19  }
0x26: {  	[tilespmem:s15], [sflag:$0x1] =	stream.indirect.gather [hbm4b:s4+s14], $0x80, s20, s14, $0xb8;
	[tilespmem:$0x1D000] =	vst v63  }
0x27: {  	p0 =	sne.s32 s19, $0x9E00;
	_ =	swait.ge [sflag:s16], $0x3E80  }
.Ltmp0:
0x28: {  	[sflag:s16] =	ssyncset.done $0x0;
	(pc) =	sbr.rel @p0 .LBB2_2-.Ltmp0, $4  }
0x29: {  	s19 =	sadd.s32 $0x2800, s20;
	[sflag:s16] =	ssyncadd.s32 $0xFFFFC180  }
0x2a: {  	[spmem:s2] =	stream.indirect.scatter.add.f32 [tilespmem:s15], [sflag:$0x2], $0x80, s19, s14, $0xb8;
	[tilespmem:$0x1D000] =	vst v63  }
0x2b: {  	_ =	swait.ge [sflag:s10], $0x3E80  }
0x2c: {  	s19 =	smov.u32 s21;
	[sflag:s10] =	ssyncset.done $0x0  }
0x2d: {  	s18 =	sshra.s32 s18, $0x2;
	[sflag:s10] =	ssyncadd.s32 $0xFFFFC180  }
0x2e: {  	[tilespmem:s15], [sflag:$0x1] =	stream.indirect.gather [hbm4b:s4+s14], $0x80, s18, s14, $0xb8;
	[tilespmem:$0x1D000] =	vst v63  }
0x2f: {  	_ =	swait.ge [sflag:s16], $0x3E80  }
0x30: {  	[sflag:s16] =	ssyncset.done $0x0  }
0x31: {  	s18 =	sadd.s32 $0x2800, s18;
	[sflag:s16] =	ssyncadd.s32 $0xFFFFC180  }
0x32: {  	[spmem:s2] =	stream.indirect.scatter.add.f32 [tilespmem:s15], [sflag:$0x2], $0x80, s18, s14, $0xb8;
	[tilespmem:$0x1D000] =	vst v63  }
0x33: {  	_ =	swait.ge [sflag:s10], $0x3E80  }
0x34: {  	s17 =	sadd.s32 $0x1, s17;
	[sflag:s10] =	ssyncset.done $0x0  }
0x35: {  	p0 =	sne.s32 s17, s9;
	[sflag:s10] =	ssyncadd.s32 $0xFFFFC180  }
.Ltmp1:
0x36: {  	[bflag:$0x0] =	sbarrier.arrive $0xFFFF;
	(pc) =	sbr.rel @p0 .LBB2_1-.Ltmp1, $4  }
0x37: {  	[hbm:s8], [sflag:s12] =	dma.local [spmem:s13], $0x2800  }
0x38: {  	_ =	swait.ge [sflag:s10], $0x2800  }
0x39: {  	[sflag:s10] =	ssyncset.done $0x0  }
0x3a: {  	[sflag:s10] =	ssyncadd.s32 $0xFFFFD800  }
0x3b: {  	_ =	sfence.sel $0x180000  }
0x3c: {  	[bflag:$0x0] =	sbarrier.arrive $0xFFFF  }
0x3d: {  	p0 =	sne.s32 s0, $0x0;
	_ =	strace $0x9000004D  }
0x3e: {  	s0 =	sadd.s32 @!p0 $0x100000, s1;
	[bflag:$0x2] =	sbarrier.arrive $0xFFFF  }
0x3f: {  	[sflag:s0] =	ssyncadd.tile.s32 @!p0 $0x1;
	_ =	shalt  }
.Lfunc_end2:
_tile_overlayer_lowered:
.L_overlay_start_2:
0x40: {  	(tag) =	ssettag $0x2  }
0x41: {  	s0 =	rddreg [dreg:$0x0];
	s2 =	stileid.u32  }
0x42: {  	s1 =	rddreg [dreg:$0x1];
	p0 =	sne.s32 s2, $0x0  }
0x43: {  	s3 =	rddreg [dreg:$0x2];
	[bflag:$0x3] =	sbarrier.arrive $0xFFFF;
	s2 =	simm.s32 @!p0 $0x1C02  }
0x44: {  	[timem:s3], [sflag:s2] =	dma.local @!p0 [hbm:s0], s1  }
0x45: {  	s0 =	simm.s32 @!p0 $0x2  }
0x46: {  	_ =	swait.ge @!p0 [sflag:s0], s1  }
0x47: {  	s1 =	ssub.s32 @!p0 $0x0, s1;
	[sflag:s0] =	ssyncset.done @!p0 $0x0  }
0x48: {  	[sflag:s0] =	ssyncadd.s32 @!p0 s1  }
0x49: {  	[bflag:$0x3] =	sbarrier.arrive $0xFFFF  }
0x4a: {  	_ =	shalt  }

// kernel: kernel.8.cloned.1.call-start
scs
__scs_entry_jumppad:
0x0: {  	(pc) =	sbr.rel $0x88, $3  }
0x1: {  	(tag) =	ssettag $0x0;
	lr =	simm.s32 $0x1  }
0x2: {  	[smem:$0x3F88] =	sst lr;
	_ =	strace $0xD0000000  }
0x3: {  	_ = 	snop  }
0x4: {  	_ = 	snop  }
0x5: {  	_ = 	snop  }
0x6: {  	_ = 	snop  }
0x7: {  	_ = 	snop  }
__scs_overlays_trampoline_lowered:
0x8: {  	[smem:$0x3F97] =	sst s0  }
0x9: {  	[smem:$0x3F98] =	sst s1  }
0xa: {  	[smem:$0x3F99] =	sst s2  }
0xb: {  	[smem:$0x3F9A] =	sst s3  }
0xc: {  	[smem:$0x3F9B] =	sst s4  }
0xd: {  	[smem:$0x3F9C] =	sst s5  }
0xe: {  	[smem:$0x3F9D] =	sst s6  }
0xf: {  	[smem:$0x3F9E] =	sst s7  }
0x10: {  	[smem:$0x3F9F] =	sst s8  }
0x11: {  	[smem:$0x3FA0] =	sst s9;
	s0 =	simm.s32 @!p0 $0x0  }
0x12: {  	s1 =	sld [smem:$0x3F86];
	s0 =	simm.s32 @p0 $0x1  }
0x13: {  	[smem:$0x3FA1] =	sst s0;
	s0 =	simm.s32 @!p1 $0x0  }
0x14: {  	s2 =	sld [smem:$0x3F85];
	s0 =	simm.s32 @p1 $0x1  }
0x15: {  	[smem:$0x3FA2] =	sst s0;
	s0 =	simm.s32 @!p2 $0x0  }
0x16: {  	s3 =	sld [smem:$0x3FDB];
	s0 =	simm.s32 @p2 $0x1  }
0x17: {  	s4 =	simm.s32 $0x1BF5;
	[smem:$0x3FA4] =	sst s0  }
0x18: {  	s0 =	sld [smem:$0x3F87];
	_ =	swait.ge [sflag:s4], $0x0  }
0x19: {  	s7 =	sld [smem:$0x3F88]  }
0x1a: {  	s8 =	sadd.s32 $0xFFFFE003, lr  }
0x1b: {  	s9 =	sadd.s32 $0xFFFFFEF7, lr;
	s5 =	simm.s32 $0xFFFFFFFF;
	p2 =	slt.u32 s8, $0xFFFFF086  }
0x1c: {  	p1 =	slt.u32 s9, $0xF7A;
	s5 =	simm.s32 @!p2 $0x0  }
0x1d: {  	s5 =	simm.s32 @p1 $0x1;
	p0 =	seq.s32 s7, s2  }
0x1e: {  	s7 =	smul.u32 @!p0 $0xF7A, s2;
	p2 =	seq.s32 @!p0 s5, $0x0  }
0x1f: {  	s9 =	smul.u32 $0xF7A, s1;
	s8 =	simm.s32 @!p0 $0x1BF5;
	p2 =	por !p2, p0  }
0x20: {  	[sflag:s8] =	ssyncset.s32 @!p0 $0xFFFFF086;
	s6 =	sadd.s32 @!p0 s3, s7;
	s7 =	simm.s32 @!p0 $0x108  }
0x21: {  	s3 =	sadd.s32 s3, s9;
	s6 =	sadd.s32 @!p0 $0x88, s6;
	s7 =	simm.s32 @p2 $0x1082  }
0x22: {  	[simem:s7], [sflag:s8] =	dma.local @!p0 [hbm:s6], $0xF7A  }
0x23: {  	s9 =	sor.u32 $0xD0000000, s2;
	s6 =	simm.s32 $0x108;
	_ =	swait.ge @!p0 [sflag:s8], $0x0  }
0x24: {  	s3 =	sadd.s32 $0x88, s3;
	s6 =	simm.s32 @!p1 $0x1082;
	[sflag:s4] =	ssyncset.s32 $0xFFFFF086  }
0x25: {  	[simem:s6], [sflag:s4] =	dma.local [hbm:s3], $0xF7A  }
0x26: {  	[smem:$0x3F88] =	sst s1;
	(tag) =	ssettag s2;
	_ =	strace s9  }
0x27: {  	s1 =	sld [smem:$0x3F98]  }
0x28: {  	s2 =	sld [smem:$0x3F99]  }
0x29: {  	s4 =	sld [smem:$0x3F9B]  }
0x2a: {  	p0 =	seq.s32 s5, $0x0;
	s5 =	sld [smem:$0x3F9C]  }
0x2b: {  	s6 =	sld [smem:$0x3F9D]  }
0x2c: {  	s7 =	sld [smem:$0x3F9E]  }
0x2d: {  	s3 =	simm.s32 $0x108;
	s8 =	sld [smem:$0x3F9F]  }
0x2e: {  	s3 =	simm.s32 @!p0 $0x1082;
	s9 =	sld [smem:$0x3FA0]  }
0x2f: {  	lr =	sadd.s32 s0, s3;
	s0 =	sld [smem:$0x3F97]  }
0x30: {  	s3 =	sld [smem:$0x3F9A]  }
0x31: {  	[smem:$0x3FA3] =	sst s10  }
0x32: {  	s10 =	sld [smem:$0x3FA1];
	_ =	sdelay $0x3  }
0x33: {  	p0 =	seq.s32 s10, $0x1;
	s10 =	sld [smem:$0x3FA3];
	_ =	sdelay $0x3  }
0x34: {  	[smem:$0x3FA3] =	sst s10  }
0x35: {  	s10 =	sld [smem:$0x3FA2];
	_ =	sdelay $0x3  }
0x36: {  	p1 =	seq.s32 s10, $0x1;
	s10 =	sld [smem:$0x3FA3];
	_ =	sdelay $0x3  }
0x37: {  	[smem:$0x3FA3] =	sst s10  }
0x38: {  	s10 =	sld [smem:$0x3FA4]  }
0x39: {  	_ = 	snop;
	(pc) =	sbr.ind lr, $3  }
0x3a: {  	_ = 	snop  }
0x3b: {  	_ = 	snop  }
0x3c: {  	p2 =	seq.s32 s10, $0x1;
	s10 =	sld [smem:$0x3FA3]  }
0x3d: {  	_ =	shalt  }
0x3e: {  	_ =	shalt  }
0x3f: {  	_ =	shalt  }
0x40: {  	_ =	shalt  }
0x41: {  	_ =	shalt  }
0x42: {  	_ =	shalt  }
0x43: {  	_ =	shalt  }
0x44: {  	_ =	shalt  }
0x45: {  	_ =	shalt  }
0x46: {  	_ =	shalt  }
0x47: {  	_ =	shalt  }
0x48: {  	_ =	shalt  }
0x49: {  	_ =	shalt  }
0x4a: {  	_ =	shalt  }
0x4b: {  	_ =	shalt  }
0x4c: {  	_ =	shalt  }
0x4d: {  	_ =	shalt  }
0x4e: {  	_ =	shalt  }
0x4f: {  	_ =	shalt  }
0x50: {  	_ =	shalt  }
0x51: {  	_ =	shalt  }
0x52: {  	_ =	shalt  }
0x53: {  	_ =	shalt  }
0x54: {  	_ =	shalt  }
0x55: {  	_ =	shalt  }
0x56: {  	_ =	shalt  }
0x57: {  	_ =	shalt  }
0x58: {  	_ =	shalt  }
0x59: {  	_ =	shalt  }
0x5a: {  	_ =	shalt  }
0x5b: {  	_ =	shalt  }
0x5c: {  	_ =	shalt  }
0x5d: {  	_ =	shalt  }
0x5e: {  	_ =	shalt  }
0x5f: {  	_ =	shalt  }
0x60: {  	_ =	shalt  }
0x61: {  	_ =	shalt  }
0x62: {  	_ =	shalt  }
0x63: {  	_ =	shalt  }
0x64: {  	_ =	shalt  }
0x65: {  	_ =	shalt  }
0x66: {  	_ =	shalt  }
0x67: {  	_ =	shalt  }
0x68: {  	_ =	shalt  }
0x69: {  	_ =	shalt  }
0x6a: {  	_ =	shalt  }
0x6b: {  	_ =	shalt  }
0x6c: {  	_ =	shalt  }
0x6d: {  	_ =	shalt  }
0x6e: {  	_ =	shalt  }
0x6f: {  	_ =	shalt  }
0x70: {  	_ =	shalt  }
0x71: {  	_ =	shalt  }
0x72: {  	_ =	shalt  }
0x73: {  	_ =	shalt  }
0x74: {  	_ =	shalt  }
0x75: {  	_ =	shalt  }
0x76: {  	_ =	shalt  }
0x77: {  	_ =	shalt  }
0x78: {  	_ =	shalt  }
0x79: {  	_ =	shalt  }
0x7a: {  	_ =	shalt  }
0x7b: {  	_ =	shalt  }
0x7c: {  	_ =	shalt  }
0x7d: {  	_ =	shalt  }
0x7e: {  	_ =	shalt  }
0x7f: {  	_ =	shalt  }
0x80: {  	_ =	shalt  }
0x81: {  	_ =	shalt  }
0x82: {  	_ =	shalt  }
0x83: {  	_ =	shalt  }
0x84: {  	_ =	shalt  }
0x85: {  	_ =	shalt  }
0x86: {  	_ =	shalt  }
0x87: {  	_ =	shalt  }
.Lfunc_end0:
.L_simem_size_0:
called_computation_lowered:
.L_overlay_start_0:
0x88: {  	s2 =	sld [smem:$0x3FD9]  }
0x89: {  	s3 =	sld [smem:$0x3FFE];
	_ =	sdelay $0x1  }
0x8a: {  	s1 =	srdreg.scid  }
0x8b: {  	s0 =	sand.u32 $0x1, s1  }
0x8c: {  	s16 =	sshll.u32 s0, $0xA;
	s2 =	sadd.s32 s3, s2  }
0x8d: {  	s2 =	sadd.s32 s2, s16  }
0x8e: {  	[smem:$0x3FAF] =	sst s2  }
0x8f: {  	_ = 	snop  }
0x90: {  	(tm) =	ssettm $0x1  }
0x91: {  	s17 =	sld [smem:$0x3FFB];
	_ =	sdelay $0x3  }
0x92: {  	_ =	strace s17  }
0x93: {  	s2 =	sld [smem:$0x3FFC];
	_ =	sdelay $0x3  }
0x94: {  	_ =	strace s2  }
0x95: {  	s2 =	sld [smem:$0x3FFD];
	_ =	sdelay $0x3  }
0x96: {  	_ =	strace s2  }
0x97: {  	_ =	strace $0x8FFFFFFF  }
0x98: {  	s18 =	sld [smem:$0x3FDB];
	_ =	sdelay $0x1  }
0x99: {  	s19 =	simm.s32 $_scs_section_size  }
0x9a: {  	s4 =	simm.s32 $_size__tile_overlayer_lowered;
	s5 =	simm.s32 $_tile_overlayer_lowered  }
0x9b: {  	s22 =	simm.s32 $0x1BFF;
	s21 =	sshll.u32 s5, $0x1;
	s2 =	sadd.s32 s19, s18  }
0x9c: {  	s6 =	simm.s32 $0x0;
	s20 =	sshll.u32 s4, $0x1;
	s4 =	sadd.s32 s21, s2  }
0x9d: {  	[timem:s6], [sflag:s22] =	dma.local [hbm:s4], s20  }
0x9e: {  	_ =	swait.ge [sflag:s22], s20  }
0x9f: {  	s3 =	ssub.s32 $0x0, s20;
	[sflag:s22] =	ssyncset.done $0x0  }
0xa0: {  	[sflag:s22] =	ssyncadd.s32 s3;
	_ =	sdelay $0x1  }
0xa1: {  	s23 =	simm.s32 $0x1B8B  }
0xa2: {  	_ =	swait.ge [sflag:s23], $0x1  }
0xa3: {  	[sflag:s23] =	ssyncset.done $0x0  }
0xa4: {  	s25 =	simm.s32 $0x1B8E;
	s24 =	sld [smem:$0x3FFE];
	[sflag:s23] =	ssyncadd.s32 $0xFFFFFFFF  }
0xa5: {  	s26 =	simm.s32 $execute0_lowered;
	[smem:$0x3FD2] =	sst s25  }
0xa6: {  	s4 =	sshll.u32 s26, $0x1;
	_ =	strace $0x80000046;
	[dreg:$0x1] =	wrdreg $0xFFFFFFFF  }
0xa7: {  	s28 =	simm.s32 $_size_execute0_lowered;
	s2 =	sadd.s32 s2, s4;
	[dreg:$0x0] =	wrdreg $0x0  }
0xa8: {  	s4 =	sshll.u32 s28, $0x1;
	[dreg:$0x2] =	wrdreg s2  }
0xa9: {  	[dreg:$0x3] =	wrdreg s4  }
0xaa: {  	[dreg:$0x4] =	wrdreg $0xC0  }
0xab: {  	_ =	task [dreg:s6], $0x5FFFF  }
0xac: {  	[dreg:$0x1] =	wrdreg $0xFFFFFFFF  }
0xad: {  	[dreg:$0x0] =	wrdreg $0x60  }
0xae: {  	[dreg:$0x2] =	wrdreg s24  }
0xaf: {  	[dreg:$0x3] =	wrdreg $0x90000  }
0xb0: {  	[dreg:$0x4] =	wrdreg $0x9  }
0xb1: {  	_ =	task.clear_ibuf [dreg:s6], $0x5FFFF;
	_ =	strace $0x90000046  }
0xb2: {  	s29 =	simm.s32 $0x9;
	_ =	strace $0x80000048  }
0xb3: {  	_ =	swait.ge [sflag:s29], $0x1  }
0xb4: {  	[sflag:s29] =	ssyncadd.s32 $0xFFFFFFFF  }
0xb5: {  	_ =	strace $0x90000048  }
0xb6: {  	_ =	sfence  }
0xb7: {  	s30 =	sld [smem:$0x0];
	_ =	sdelay $0x2  }
0xb8: {  	s31 =	sshll.u32 s1, $0xD;
	s1 =	sshrl.u32 s1, $0x2  }
0xb9: {  	s3 =	sand.u32 $0x4000, s31;
	s1 =	sadd.s32 s1, s30  }
0xba: {  	s0 =	sor.u32 s3, s0;
	s1 =	sshll.u32 s1, $0x11  }
0xbb: {  	s0 =	sor.u32 s1, s0  }
0xbc: {  	s0 =	sadd.s32 $0x8F2B, s0  }
0xbd: {  	[sflag:s0] =	ssyncadd.remote.s32 $0x1  }
0xbe: {  	_ =	sfence.sel $0xFFFF  }
0xbf: {  	[dreg:$0x0] =	wrdreg $0xFFFFFFFF;
	(pc) =	sbr.abs _section_cstart, $3  }
0xc0: {  	[dreg:$0x1] =	wrdreg $0xFFFFFFFF  }
0xc1: {  	_ =	task.clear_ibuf [dreg:s6], $0x2FFFF;
	_ =	strace $0x9FFFFFFF  }
0xc2: {  	(tm) =	ssettm $0x7FFFFFFF  }
0xc3: {  	_ =	shalt  }
tec
execute0_lowered:
.L_overlay_start_1:
0x0: {  	(tag) =	ssettag $0x1  }
0x1: {  	s1 =	srdreg.scid;
	s5 =	rddreg [dreg:$0x0]  }
0x2: {  	s0 =	stileid.u32;
	s2 =	rddreg [dreg:$0x1];
	s3 =	simm.s32 $0x0  }
0x3: {  	s15 =	simm.s32 $0x5000;
	s16 =	simm.s32 $0x1;
	s17 =	simm.s32 $0x0  }
0x4: {  	s7 =	sand.u32 $0x1, s1;
	s26 =	sshll.u32 s0, $0x1;
	s9 =	smul.u32 $0x14000, s0  }
0x5: {  	[smem:$0x7FF] =	sst s3;
	s12 =	sadd.s32 $0x40400, s5;
	s11 =	smul.u32 $0x50000, s0  }
0x6: {  	s29 =	smul.u32 $0x2800, s0;
	s31 =	sshll.u32 s0, $0x6;
	s1 =	sor.u32 s7, s26  }
0x7: {  	s6 =	smul.u32 $0x140000, s7;
	s28 =	ssub.s32 $0x2, s7;
	p0 =	seq.s32 s7, $0x1  }
0x8: {  	s4 =	smul.u32 $0x2800, s1;
	s1 =	rddreg [dreg:$0x2];
	_ =	strace $0x80000047  }
0x9: {  	s10 =	sshrl.u32 s28, $0x1;
	s30 =	sshrl.u32 s11, $0x2;
	s11 =	simm.s32 $0x2800  }
0xa: {  	s6 =	sadd.s32 s9, s6;
	s9 =	ssub.s32 s28, s10;
	s14 =	sadd.s32 s30, s2  }
0xb: {  	s10 =	simm.s32 $0x2;
	s8 =	sshrl.u32 s4, $0x3;
	s4 =	sadd.s32 $0x18400, s5  }
0xc: {  	s6 =	sshrl.u32 s6, $0x3;
	s9 =	smax.u32 s9, $0x1;
	s8 =	sadd.s32 s8, s5  }
0xd: {  	s13 =	sadd.s32 s6, s5;
	s7 =	sadd.s32 s4, s29;
	s5 =	sadd.s32 $0x4400, s8  }
0xe: {  	s6 =	sadd.s32 $0xE400, s8;
	s8 =	sadd.s32 $0x42C00, s13;
	s7 =	smov.u32 @p0 s12  }
0xf: {  	s12 =	sor.u32 $0x1C02, s31;
	s13 =	sshrl.u32 s14, $0x3;
	s14 =	simm.s32 $0x7D  }
.LBB2_1:
0x10: {  	[tilespmem:s3], [sflag:$0x2] =	stream.linear.gather [hbm4b:s5+s3], $0x2800, $0x38;
	[tilespmem:$0x1D000] =	vst v63  }
0x11: {  	_ =	swait.ge [sflag:s10], $0x2800  }
0x12: {  	[sflag:s10] =	ssyncset.done $0x0  }
0x13: {  	[sflag:s10] =	ssyncadd.s32 $0xFFFFD800  }
0x14: {  	[tilespmem:s11], [sflag:$0x2] =	stream.linear.gather [hbm4b:s6+s3], $0x2800, $0x38;
	[tilespmem:$0x1D000] =	vst v63  }
0x15: {  	_ =	swait.ge [sflag:s10], $0x2800  }
0x16: {  	[sflag:s10] =	ssyncset.done $0x0  }
0x17: {  	[sflag:s10] =	ssyncadd.s32 $0xFFFFD800  }
0x18: {  	[spmem:s13], [sflag:s12] =	dma.local [hbm:s7], $0x2800  }
0x19: {  	_ =	swait.ge [sflag:s10], $0x2800  }
0x1a: {  	[sflag:s10] =	ssyncset.done $0x0  }
0x1b: {  	[sflag:s10] =	ssyncadd.s32 $0xFFFFD800  }
0x1c: {  	s18 =	simm.s32 $0x0;
	[bflag:$0x0] =	sbarrier.arrive $0xFFFF  }
0x1d: {  	[tilespmem:s15], [sflag:$0x1] =	stream.indirect.gather [hbm4b:s4+s14], $0x80, s18, s14, $0xb8;
	[tilespmem:$0x1D000] =	vst v63  }
0x1e: {  	_ =	swait.ge [sflag:s16], $0x3E80  }
0x1f: {  	[sflag:s16] =	ssyncset.done $0x0  }
0x20: {  	s31 =	simm.s32 $0x2800;
	[sflag:s16] =	ssyncadd.s32 $0xFFFFC180  }
0x21: {  	[spmem:s2] =	stream.indirect.scatter.add.f32 [tilespmem:s15], [sflag:$0x2], $0x80, s31, s14, $0xb8;
	[tilespmem:$0x1D000] =	vst v63  }
0x22: {  	_ =	swait.ge [sflag:s10], $0x3E80  }
0x23: {  	s19 =	simm.s32 $0x400;
	s18 =	simm.s32 $0x200;
	[sflag:s10] =	ssyncset.done $0x0  }
.LBB2_2:
0x24: {  	s20 =	sshra.s32 s18, $0x2  }
0x25: {  	[sflag:s10] =	ssyncadd.s32 $0xFFFFC180;
	s18 =	smov.u32 s19;
	s21 =	sadd.s32 $0x200, s19  }
0x26: {  	[tilespmem:s15], [sflag:$0x1] =	stream.indirect.gather [hbm4b:s4+s14], $0x80, s20, s14, $0xb8;
	[tilespmem:$0x1D000] =	vst v63  }
0x27: {  	p0 =	sne.s32 s19, $0x9E00;
	_ =	swait.ge [sflag:s16], $0x3E80  }
.Ltmp0:
0x28: {  	[sflag:s16] =	ssyncset.done $0x0;
	(pc) =	sbr.rel @p0 .LBB2_2-.Ltmp0, $4  }
0x29: {  	s19 =	sadd.s32 $0x2800, s20;
	[sflag:s16] =	ssyncadd.s32 $0xFFFFC180  }
0x2a: {  	[spmem:s2] =	stream.indirect.scatter.add.f32 [tilespmem:s15], [sflag:$0x2], $0x80, s19, s14, $0xb8;
	[tilespmem:$0x1D000] =	vst v63  }
0x2b: {  	_ =	swait.ge [sflag:s10], $0x3E80  }
0x2c: {  	s19 =	smov.u32 s21;
	[sflag:s10] =	ssyncset.done $0x0  }
0x2d: {  	s18 =	sshra.s32 s18, $0x2;
	[sflag:s10] =	ssyncadd.s32 $0xFFFFC180  }
0x2e: {  	[tilespmem:s15], [sflag:$0x1] =	stream.indirect.gather [hbm4b:s4+s14], $0x80, s18, s14, $0xb8;
	[tilespmem:$0x1D000] =	vst v63  }
0x2f: {  	_ =	swait.ge [sflag:s16], $0x3E80  }
0x30: {  	[sflag:s16] =	ssyncset.done $0x0  }
0x31: {  	s18 =	sadd.s32 $0x2800, s18;
	[sflag:s16] =	ssyncadd.s32 $0xFFFFC180  }
0x32: {  	[spmem:s2] =	stream.indirect.scatter.add.f32 [tilespmem:s15], [sflag:$0x2], $0x80, s18, s14, $0xb8;
	[tilespmem:$0x1D000] =	vst v63  }
0x33: {  	_ =	swait.ge [sflag:s10], $0x3E80  }
0x34: {  	s17 =	sadd.s32 $0x1, s17;
	[sflag:s10] =	ssyncset.done $0x0  }
0x35: {  	p0 =	sne.s32 s17, s9;
	[sflag:s10] =	ssyncadd.s32 $0xFFFFC180  }
.Ltmp1:
0x36: {  	[bflag:$0x0] =	sbarrier.arrive $0xFFFF;
	(pc) =	sbr.rel @p0 .LBB2_1-.Ltmp1, $4  }
0x37: {  	[hbm:s8], [sflag:s12] =	dma.local [spmem:s13], $0x2800  }
0x38: {  	_ =	swait.ge [sflag:s10], $0x2800  }
0x39: {  	[sflag:s10] =	ssyncset.done $0x0  }
0x3a: {  	[sflag:s10] =	ssyncadd.s32 $0xFFFFD800  }
0x3b: {  	_ =	sfence.sel $0x180000  }
0x3c: {  	[bflag:$0x0] =	sbarrier.arrive $0xFFFF  }
0x3d: {  	p0 =	sne.s32 s0, $0x0;
	_ =	strace $0x90000047  }
0x3e: {  	s0 =	sadd.s32 @!p0 $0x100000, s1;
	[bflag:$0x2] =	sbarrier.arrive $0xFFFF  }
0x3f: {  	[sflag:s0] =	ssyncadd.tile.s32 @!p0 $0x1;
	_ =	shalt  }
.Lfunc_end2:
_tile_overlayer_lowered:
.L_overlay_start_2:
0x40: {  	(tag) =	ssettag $0x2  }
0x41: {  	s0 =	rddreg [dreg:$0x0];
	s2 =	stileid.u32  }
0x42: {  	s1 =	rddreg [dreg:$0x1];
	p0 =	sne.s32 s2, $0x0  }
0x43: {  	s3 =	rddreg [dreg:$0x2];
	[bflag:$0x3] =	sbarrier.arrive $0xFFFF;
	s2 =	simm.s32 @!p0 $0x1C02  }
0x44: {  	[timem:s3], [sflag:s2] =	dma.local @!p0 [hbm:s0], s1  }
0x45: {  	s0 =	simm.s32 @!p0 $0x2  }
0x46: {  	_ =	swait.ge @!p0 [sflag:s0], s1  }
0x47: {  	s1 =	ssub.s32 @!p0 $0x0, s1;
	[sflag:s0] =	ssyncset.done @!p0 $0x0  }
0x48: {  	[sflag:s0] =	ssyncadd.s32 @!p0 s1  }
0x49: {  	[bflag:$0x3] =	sbarrier.arrive $0xFFFF  }
0x4a: {  	_ =	shalt  }

</sc_bundles>
